<compile_context>
chip_gen: v7x
topology: tpu7x:2x2x1
jax: 0.10.2.dev20260603
libtpu: 0.0.44.dev20260713+nightly
codegen_flags: <defaults>
</compile_context>

<pallas_src>
import functools

import jax
import jax.numpy as jnp
from jax import lax
from jax.experimental import pallas as pl
from jax.experimental.pallas import tpu as pltpu
from jax.experimental.pallas import tpu_sc as plsc

N = 100000
D = 128
B = 32768
K = 16

NC = 2
NS = 16
NW = NC * NS
E = B * K
RPW = E // NW
CH = 128
CPW = RPW // CH

RB = 512
EB = B // RB
NBLK = (N + RB - 1) // RB


NB = 4
NG = CPW // NB


def _sc_gather_body(wv_hbm, idx_hbm, out_hbm, idx_v, *scratch):
    bufs = scratch[:NB]
    gsems = scratch[NB:2 * NB]
    wsems = scratch[2 * NB:3 * NB]
    wid = lax.axis_index("s") * NC + lax.axis_index("c")
    pltpu.sync_copy(idx_hbm.at[wid], idx_v)

    for b in range(NB):
        pltpu.async_copy(wv_hbm.at[idx_v.at[b]], bufs[b], gsems[b])

    def group(g, carry):
        for b in range(NB):
            c = g * NB + b
            pltpu.make_async_copy(wv_hbm.at[idx_v.at[c]], bufs[b], gsems[b]).wait()
            pltpu.async_copy(bufs[b], out_hbm.at[wid, c], wsems[b])
        for b in range(NB):
            c = g * NB + b
            pltpu.make_async_copy(bufs[b], out_hbm.at[wid, c], wsems[b]).wait()
            pltpu.async_copy(wv_hbm.at[idx_v.at[c + NB]], bufs[b], gsems[b])
        return carry

    lax.fori_loop(0, NG - 1, group, 0)

    gl = NG - 1
    for b in range(NB):
        c = gl * NB + b
        pltpu.make_async_copy(wv_hbm.at[idx_v.at[c]], bufs[b], gsems[b]).wait()
        pltpu.async_copy(bufs[b], out_hbm.at[wid, c], wsems[b])
    for b in range(NB):
        c = gl * NB + b
        pltpu.make_async_copy(bufs[b], out_hbm.at[wid, c], wsems[b]).wait()


@functools.cache
def _sc_gather():
    return functools.partial(
        pl.kernel,
        out_type=jax.ShapeDtypeStruct((NW, CPW, CH, D), jnp.float32),
        mesh=plsc.VectorSubcoreMesh(core_axis_name="c", subcore_axis_name="s"),
        scratch_types=(
            [pltpu.VMEM((CPW, CH), jnp.int32)]
            + [pltpu.VMEM((CH, D), jnp.float32) for _ in range(NB)]
            + [pltpu.SemaphoreType.DMA for _ in range(2 * NB)]
        ),
    )(_sc_gather_body)


def _tc_body(wv_ref, g_ref, mask_ref, w1t_ref, b1_ref, out_ref):
    i = pl.program_id(0)
    w1t = w1t_ref[...]
    b1 = b1_ref[...]

    @pl.when(i < EB)
    def _edge():
        q = wv_ref[...]
        cols = []
        for k in range(K):
            gk = g_ref[k]
            cols.append(jnp.sum(gk * q, axis=1, keepdims=True))
        scores = jnp.concatenate(cols, axis=1) * 5.0
        masked = jnp.where(mask_ref[...] == 1, scores, jnp.float32(-1e6))
        m = jnp.max(masked, axis=1, keepdims=True)
        e = jnp.exp(masked - m)
        p = e / jnp.sum(e, axis=1, keepdims=True)
        acc = jnp.zeros((RB, D), jnp.float32)
        for k in range(K):
            gk = g_ref[k]
            h = jnp.dot(gk, w1t, preferred_element_type=jnp.float32) + b1
            h = jnp.where(h >= 0, h, 0.2 * h)
            acc = acc + p[:, k:k + 1] * h
        out_ref[...] = acc

    @pl.when(i >= EB)
    def _tail():
        x = jnp.dot(wv_ref[...], w1t, preferred_element_type=jnp.float32) + b1
        out_ref[...] = jnp.where(x >= 0, x, 0.2 * x)


def kernel(word_vec, src_idx, neighs_idx, src_mask, W1, b1):
    del src_idx
    flat_idx = neighs_idx.T.reshape(NW, CPW, CH)
    g4 = _sc_gather()(word_vec, flat_idx)
    g = g4.reshape(K, B, D)

    w1t = W1.T
    b1_2d = b1.reshape(1, D)

    grid_spec = pl.GridSpec(
        grid=(NBLK,),
        in_specs=[
            pl.BlockSpec((RB, D), lambda i: (i, 0)),
            pl.BlockSpec((K, RB, D), lambda i: (0, jnp.minimum(i, EB - 1), 0)),
            pl.BlockSpec((RB, K), lambda i: (jnp.minimum(i, EB - 1), 0)),
            pl.BlockSpec((D, D), lambda i: (0, 0)),
            pl.BlockSpec((1, D), lambda i: (0, 0)),
        ],
        out_specs=pl.BlockSpec((RB, D), lambda i: (i, 0)),
    )
    out = pl.pallas_call(
        _tc_body,
        grid_spec=grid_spec,
        out_shape=jax.ShapeDtypeStruct((N, D), jnp.float32),
    )(word_vec, g, src_mask, w1t, b1_2d)
    return out

# --- scband reference (transcript-rebuilt; emitter-appended) ---
"""Pipeline reference for scband-graph-att-5609227288951 (READ-ONLY COPY).

The authoritative reference and input builder live on the scoring server;
editing this copy changes nothing except your own understanding.
"""

import jax, jax.numpy as jnp
import numpy as np

N = 100000
D = 128
B = 32768
K = 16

def _leaky_relu(x, slope=0.2):
    return jnp.where(x >= 0, x, slope * x)

def setup_inputs(seed: int = 0) -> dict:
    key = jax.random.key(seed)
    k1, k2, k3, k4 = jax.random.split(key, 4)
    word_vec = jax.random.normal(k1, (N, D), dtype=jnp.float32)
    src_idx = jnp.arange(B, dtype=jnp.int32)
    neighs_idx = jax.random.randint(k2, (B, K), 0, N, dtype=jnp.int32)
    src_mask = jax.random.randint(k3, (B, K), 0, 2, dtype=jnp.int32)
    # proj_before = Linear(in_channels=D, out_channels=D) with xavier_uniform weight, zero-ish bias
    limit = float(np.sqrt(6.0 / (D + D)))
    W1 = jax.random.uniform(k4, (D, D), minval=-limit, maxval=limit, dtype=jnp.float32)
    b1 = jnp.zeros((D,), dtype=jnp.float32)
    return {"word_vec": word_vec, "src_idx": src_idx, "neighs_idx": neighs_idx,
            "src_mask": src_mask, "W1": W1, "b1": b1}

def reference(word_vec, src_idx, neighs_idx, src_mask, W1, b1):
    # dropout in eval mode = identity
    supports = word_vec
    # query: [B, D]; key: [B, K, D] (gathers on raw features)
    q = jnp.take(supports, src_idx, axis=0)
    kk = jnp.take(supports, neighs_idx, axis=0)
    attention_scores = jnp.einsum('bd,bkd->bk', q, kk) * 5.0
    masked = jnp.where(src_mask == 1, attention_scores, jnp.float32(-1000000.0))
    attention_probs = jax.nn.softmax(masked, axis=-1)  # [B, K]
    # proj_before: Linear + LeakyReLU(0.2)
    sup = _leaky_relu(supports @ W1.T + b1)
    # aggregate projected neighbor features with attention, scatter-overwrite at src_idx
    neigh_proj = jnp.take(sup, neighs_idx, axis=0)  # [B, K, D]
    agg = jnp.einsum('bk,bko->bo', attention_probs, neigh_proj)  # [B, D]
    out = sup.at[src_idx].set(agg)
    return out

if __name__ == "__main__":
    import jax
    _d = setup_inputs()
    print(jax.jit(kernel)(*tuple(_d.values())))

</pallas_src>

<mosaic_0001>
#map = affine_map<(d0, d1) -> (0, 0)>
#map1 = affine_map<(d0, d1) -> (0, 0, 0)>
#map2 = affine_map<(d0, d1) -> (0, 0, 0, 0)>
module attributes {stable_mosaic.version = 14 : i64} {
  func.func @_sc_gather_body(%arg0: i32, %arg1: i32, %arg2: memref<100000x128xf32, #tpu.memory_space<hbm>>, %arg3: memref<32x128x128xi32, #tpu.memory_space<hbm>>, %arg4: memref<32x128x128x128xf32, #tpu.memory_space<hbm>>, %arg5: memref<128x128xi32, #tpu.memory_space<vmem>>, %arg6: memref<128x128xf32, #tpu.memory_space<vmem>>, %arg7: memref<128x128xf32, #tpu.memory_space<vmem>>, %arg8: memref<128x128xf32, #tpu.memory_space<vmem>>, %arg9: memref<128x128xf32, #tpu.memory_space<vmem>>, %arg10: memref<!tpu.dma_semaphore, #tpu.memory_space<semaphore_mem>>, %arg11: memref<!tpu.dma_semaphore, #tpu.memory_space<semaphore_mem>>, %arg12: memref<!tpu.dma_semaphore, #tpu.memory_space<semaphore_mem>>, %arg13: memref<!tpu.dma_semaphore, #tpu.memory_space<semaphore_mem>>, %arg14: memref<!tpu.dma_semaphore, #tpu.memory_space<semaphore_mem>>, %arg15: memref<!tpu.dma_semaphore, #tpu.memory_space<semaphore_mem>>, %arg16: memref<!tpu.dma_semaphore, #tpu.memory_space<semaphore_mem>>, %arg17: memref<!tpu.dma_semaphore, #tpu.memory_space<semaphore_mem>>) attributes {dimension_semantics = [#tpu.dimension_semantics<core_parallel>, #tpu.dimension_semantics<subcore_parallel>], iteration_bounds = array<i64: 2, 16>, scalar_prefetch = 0 : i64, scratch_operands = 13 : i64, tpu.core_type = #tpu.core_type<sc_vector_subcore>, window_params = [{transform_indices = #map}, {transform_indices = #map1}, {transform_indices = #map2}]} {
    %mul3A = arith.constant 2 : i32
    %mul3A_0 = arith.muli %arg1, %mul3A : i32
    %add3A = arith.addi %mul3A_0, %arg0 : i32
    "tpu.region"() ({
      %run_scoped3A = tpu.sem_alloc : memref<!tpu.dma_semaphore, #tpu.memory_space<semaphore_mem>>
      %dma_start3A_132 = arith.constant 0 : i32
      %dma_start3A_133 = arith.constant 0 : i32
      %dma_start3A_134 = tpu.memref_slice %arg3[%add3A, %dma_start3A_132, %dma_start3A_133] : memref<32x128x128xi32, #tpu.memory_space<hbm>> -> memref<1x128x128xi32, #tpu.memory_space<hbm>>
      %dma_start3A_135 = tpu.memref_squeeze %dma_start3A_134 : memref<1x128x128xi32, #tpu.memory_space<hbm>> -> memref<128x128xi32, #tpu.memory_space<hbm>>
      %dma_start3A_136 = arith.constant 0 : i32
      %dma_start3A_137 = arith.constant 0 : i32
      %dma_start3A_138 = tpu.memref_slice %arg3[%add3A, %dma_start3A_136, %dma_start3A_137] : memref<32x128x128xi32, #tpu.memory_space<hbm>> -> memref<1x128x128xi32, #tpu.memory_space<hbm>>
      %dma_start3A_139 = tpu.memref_squeeze %dma_start3A_138 : memref<1x128x128xi32, #tpu.memory_space<hbm>> -> memref<128x128xi32, #tpu.memory_space<hbm>>
      tpu.enqueue_dma source(%dma_start3A_139 : memref<128x128xi32, #tpu.memory_space<hbm>>) target(%arg5 : memref<128x128xi32, #tpu.memory_space<vmem>>) target_semaphore(%run_scoped3A : memref<!tpu.dma_semaphore, #tpu.memory_space<semaphore_mem>>)
      %dma_wait3A_140 = arith.constant 0 : i32
      %dma_wait3A_141 = arith.constant 0 : i32
      %dma_wait3A_142 = tpu.memref_slice %arg3[%add3A, %dma_wait3A_140, %dma_wait3A_141] : memref<32x128x128xi32, #tpu.memory_space<hbm>> -> memref<1x128x128xi32, #tpu.memory_space<hbm>>
      %dma_wait3A_143 = tpu.memref_squeeze %dma_wait3A_142 : memref<1x128x128xi32, #tpu.memory_space<hbm>> -> memref<128x128xi32, #tpu.memory_space<hbm>>
      %dma_wait3A_144 = arith.constant 0 : i32
      %dma_wait3A_145 = arith.constant 0 : i32
      %dma_wait3A_146 = tpu.memref_slice %arg3[%add3A, %dma_wait3A_144, %dma_wait3A_145] : memref<32x128x128xi32, #tpu.memory_space<hbm>> -> memref<1x128x128xi32, #tpu.memory_space<hbm>>
      %dma_wait3A_147 = tpu.memref_squeeze %dma_wait3A_146 : memref<1x128x128xi32, #tpu.memory_space<hbm>> -> memref<128x128xi32, #tpu.memory_space<hbm>>
      tpu.wait_dma2 semaphore(%run_scoped3A : memref<!tpu.dma_semaphore, #tpu.memory_space<semaphore_mem>>) src(%dma_wait3A_147 : memref<128x128xi32, #tpu.memory_space<hbm>>) dst(%arg5 : memref<128x128xi32, #tpu.memory_space<vmem>>)
      tpu.yield
    }) : () -> ()
    %dma_start3A = arith.constant 0 : i32
    %dma_start3A_1 = arith.constant 0 : i32
    %dma_start3A_2 = tpu.memref_slice %arg5[%dma_start3A, %dma_start3A_1] : memref<128x128xi32, #tpu.memory_space<vmem>> -> memref<1x128xi32, #tpu.memory_space<vmem>>
    %dma_start3A_3 = tpu.memref_squeeze %dma_start3A_2 : memref<1x128xi32, #tpu.memory_space<vmem>> -> memref<128xi32, #tpu.memory_space<vmem>>
    %dma_start3A_4 = arith.constant 0 : i32
    %dma_start3A_5 = arith.constant 0 : i32
    %dma_start3A_6 = tpu.memref_slice %arg2[%dma_start3A_4, %dma_start3A_5] : memref<100000x128xf32, #tpu.memory_space<hbm>> -> memref<100000x128xf32, #tpu.memory_space<hbm>>
    tpu.enqueue_indirect_dma source(%dma_start3A_6 : memref<100000x128xf32, #tpu.memory_space<hbm>>) target(%arg6 : memref<128x128xf32, #tpu.memory_space<vmem>>) offsets(%dma_start3A_3 : memref<128xi32, #tpu.memory_space<vmem>>) semaphore(%arg10 : memref<!tpu.dma_semaphore, #tpu.memory_space<semaphore_mem>>)
    %dma_start3A_7 = arith.constant 1 : i32
    %dma_start3A_8 = arith.constant 0 : i32
    %dma_start3A_9 = tpu.memref_slice %arg5[%dma_start3A_7, %dma_start3A_8] : memref<128x128xi32, #tpu.memory_space<vmem>> -> memref<1x128xi32, #tpu.memory_space<vmem>>
    %dma_start3A_10 = tpu.memref_squeeze %dma_start3A_9 : memref<1x128xi32, #tpu.memory_space<vmem>> -> memref<128xi32, #tpu.memory_space<vmem>>
    %dma_start3A_11 = arith.constant 0 : i32
    %dma_start3A_12 = arith.constant 0 : i32
    %dma_start3A_13 = tpu.memref_slice %arg2[%dma_start3A_11, %dma_start3A_12] : memref<100000x128xf32, #tpu.memory_space<hbm>> -> memref<100000x128xf32, #tpu.memory_space<hbm>>
    tpu.enqueue_indirect_dma source(%dma_start3A_13 : memref<100000x128xf32, #tpu.memory_space<hbm>>) target(%arg7 : memref<128x128xf32, #tpu.memory_space<vmem>>) offsets(%dma_start3A_10 : memref<128xi32, #tpu.memory_space<vmem>>) semaphore(%arg11 : memref<!tpu.dma_semaphore, #tpu.memory_space<semaphore_mem>>)
    %dma_start3A_14 = arith.constant 2 : i32
    %dma_start3A_15 = arith.constant 0 : i32
    %dma_start3A_16 = tpu.memref_slice %arg5[%dma_start3A_14, %dma_start3A_15] : memref<128x128xi32, #tpu.memory_space<vmem>> -> memref<1x128xi32, #tpu.memory_space<vmem>>
    %dma_start3A_17 = tpu.memref_squeeze %dma_start3A_16 : memref<1x128xi32, #tpu.memory_space<vmem>> -> memref<128xi32, #tpu.memory_space<vmem>>
    %dma_start3A_18 = arith.constant 0 : i32
    %dma_start3A_19 = arith.constant 0 : i32
    %dma_start3A_20 = tpu.memref_slice %arg2[%dma_start3A_18, %dma_start3A_19] : memref<100000x128xf32, #tpu.memory_space<hbm>> -> memref<100000x128xf32, #tpu.memory_space<hbm>>
    tpu.enqueue_indirect_dma source(%dma_start3A_20 : memref<100000x128xf32, #tpu.memory_space<hbm>>) target(%arg8 : memref<128x128xf32, #tpu.memory_space<vmem>>) offsets(%dma_start3A_17 : memref<128xi32, #tpu.memory_space<vmem>>) semaphore(%arg12 : memref<!tpu.dma_semaphore, #tpu.memory_space<semaphore_mem>>)
    %dma_start3A_21 = arith.constant 3 : i32
    %dma_start3A_22 = arith.constant 0 : i32
    %dma_start3A_23 = tpu.memref_slice %arg5[%dma_start3A_21, %dma_start3A_22] : memref<128x128xi32, #tpu.memory_space<vmem>> -> memref<1x128xi32, #tpu.memory_space<vmem>>
    %dma_start3A_24 = tpu.memref_squeeze %dma_start3A_23 : memref<1x128xi32, #tpu.memory_space<vmem>> -> memref<128xi32, #tpu.memory_space<vmem>>
    %dma_start3A_25 = arith.constant 0 : i32
    %dma_start3A_26 = arith.constant 0 : i32
    %dma_start3A_27 = tpu.memref_slice %arg2[%dma_start3A_25, %dma_start3A_26] : memref<100000x128xf32, #tpu.memory_space<hbm>> -> memref<100000x128xf32, #tpu.memory_space<hbm>>
    tpu.enqueue_indirect_dma source(%dma_start3A_27 : memref<100000x128xf32, #tpu.memory_space<hbm>>) target(%arg9 : memref<128x128xf32, #tpu.memory_space<vmem>>) offsets(%dma_start3A_24 : memref<128xi32, #tpu.memory_space<vmem>>) semaphore(%arg13 : memref<!tpu.dma_semaphore, #tpu.memory_space<semaphore_mem>>)
    %scan3A = arith.constant 0 : i32
    %scan3A_28 = arith.constant 0 : i32
    %scan3A_29 = arith.constant 31 : i32
    %scan3A_30 = arith.addi %scan3A_28, %scan3A_29 : i32
    %scan3A_31 = arith.constant 1 : i32
    scf.for %scan3A_132 = %scan3A_28 to %scan3A_30 step %scan3A_31  : i32 {
      %mul3A_133 = arith.constant 4 : i32
      %mul3A_134 = arith.muli %scan3A_132, %mul3A_133 : i32
      %add3A_135 = arith.constant 0 : i32
      %add3A_136 = arith.addi %mul3A_134, %add3A_135 : i32
      %dma_wait3A_137 = arith.constant 0 : i32
      %dma_wait3A_138 = tpu.memref_slice %arg5[%add3A_136, %dma_wait3A_137] : memref<128x128xi32, #tpu.memory_space<vmem>> -> memref<1x128xi32, #tpu.memory_space<vmem>>
      %dma_wait3A_139 = tpu.memref_squeeze %dma_wait3A_138 : memref<1x128xi32, #tpu.memory_space<vmem>> -> memref<128xi32, #tpu.memory_space<vmem>>
      %dma_wait3A_140 = arith.constant 0 : i32
      %dma_wait3A_141 = arith.constant 0 : i32
      %dma_wait3A_142 = tpu.memref_slice %arg2[%dma_wait3A_140, %dma_wait3A_141] : memref<100000x128xf32, #tpu.memory_space<hbm>> -> memref<100000x128xf32, #tpu.memory_space<hbm>>
      tpu.wait_indirect_dma semaphore(%arg10 : memref<!tpu.dma_semaphore, #tpu.memory_space<semaphore_mem>>) src(%dma_wait3A_142 : memref<100000x128xf32, #tpu.memory_space<hbm>>) dst(%arg6 : memref<128x128xf32, #tpu.memory_space<vmem>>)
      %dma_start3A_143 = arith.constant 0 : i32
      %dma_start3A_144 = arith.constant 0 : i32
      %dma_start3A_145 = tpu.memref_slice %arg4[%add3A, %add3A_136, %dma_start3A_143, %dma_start3A_144] : memref<32x128x128x128xf32, #tpu.memory_space<hbm>> -> memref<1x1x128x128xf32, #tpu.memory_space<hbm>>
      %dma_start3A_146 = tpu.memref_squeeze %dma_start3A_145 : memref<1x1x128x128xf32, #tpu.memory_space<hbm>> -> memref<128x128xf32, #tpu.memory_space<hbm>>
      %dma_start3A_147 = arith.constant 0 : i32
      %dma_start3A_148 = arith.constant 0 : i32
      %dma_start3A_149 = tpu.memref_slice %arg4[%add3A, %add3A_136, %dma_start3A_147, %dma_start3A_148] : memref<32x128x128x128xf32, #tpu.memory_space<hbm>> -> memref<1x1x128x128xf32, #tpu.memory_space<hbm>>
      %dma_start3A_150 = tpu.memref_squeeze %dma_start3A_149 : memref<1x1x128x128xf32, #tpu.memory_space<hbm>> -> memref<128x128xf32, #tpu.memory_space<hbm>>
      tpu.enqueue_dma source(%arg6 : memref<128x128xf32, #tpu.memory_space<vmem>>) target(%dma_start3A_150 : memref<128x128xf32, #tpu.memory_space<hbm>>) target_semaphore(%arg14 : memref<!tpu.dma_semaphore, #tpu.memory_space<semaphore_mem>>)
      %mul3A_151 = arith.constant 4 : i32
      %mul3A_152 = arith.muli %scan3A_132, %mul3A_151 : i32
      %add3A_153 = arith.constant 1 : i32
      %add3A_154 = arith.addi %mul3A_152, %add3A_153 : i32
      %dma_wait3A_155 = arith.constant 0 : i32
      %dma_wait3A_156 = tpu.memref_slice %arg5[%add3A_154, %dma_wait3A_155] : memref<128x128xi32, #tpu.memory_space<vmem>> -> memref<1x128xi32, #tpu.memory_space<vmem>>
      %dma_wait3A_157 = tpu.memref_squeeze %dma_wait3A_156 : memref<1x128xi32, #tpu.memory_space<vmem>> -> memref<128xi32, #tpu.memory_space<vmem>>
      %dma_wait3A_158 = arith.constant 0 : i32
      %dma_wait3A_159 = arith.constant 0 : i32
      %dma_wait3A_160 = tpu.memref_slice %arg2[%dma_wait3A_158, %dma_wait3A_159] : memref<100000x128xf32, #tpu.memory_space<hbm>> -> memref<100000x128xf32, #tpu.memory_space<hbm>>
      tpu.wait_indirect_dma semaphore(%arg11 : memref<!tpu.dma_semaphore, #tpu.memory_space<semaphore_mem>>) src(%dma_wait3A_160 : memref<100000x128xf32, #tpu.memory_space<hbm>>) dst(%arg7 : memref<128x128xf32, #tpu.memory_space<vmem>>)
      %dma_start3A_161 = arith.constant 0 : i32
      %dma_start3A_162 = arith.constant 0 : i32
      %dma_start3A_163 = tpu.memref_slice %arg4[%add3A, %add3A_154, %dma_start3A_161, %dma_start3A_162] : memref<32x128x128x128xf32, #tpu.memory_space<hbm>> -> memref<1x1x128x128xf32, #tpu.memory_space<hbm>>
      %dma_start3A_164 = tpu.memref_squeeze %dma_start3A_163 : memref<1x1x128x128xf32, #tpu.memory_space<hbm>> -> memref<128x128xf32, #tpu.memory_space<hbm>>
      %dma_start3A_165 = arith.constant 0 : i32
      %dma_start3A_166 = arith.constant 0 : i32
      %dma_start3A_167 = tpu.memref_slice %arg4[%add3A, %add3A_154, %dma_start3A_165, %dma_start3A_166] : memref<32x128x128x128xf32, #tpu.memory_space<hbm>> -> memref<1x1x128x128xf32, #tpu.memory_space<hbm>>
      %dma_start3A_168 = tpu.memref_squeeze %dma_start3A_167 : memref<1x1x128x128xf32, #tpu.memory_space<hbm>> -> memref<128x128xf32, #tpu.memory_space<hbm>>
      tpu.enqueue_dma source(%arg7 : memref<128x128xf32, #tpu.memory_space<vmem>>) target(%dma_start3A_168 : memref<128x128xf32, #tpu.memory_space<hbm>>) target_semaphore(%arg15 : memref<!tpu.dma_semaphore, #tpu.memory_space<semaphore_mem>>)
      %mul3A_169 = arith.constant 4 : i32
      %mul3A_170 = arith.muli %scan3A_132, %mul3A_169 : i32
      %add3A_171 = arith.constant 2 : i32
      %add3A_172 = arith.addi %mul3A_170, %add3A_171 : i32
      %dma_wait3A_173 = arith.constant 0 : i32
      %dma_wait3A_174 = tpu.memref_slice %arg5[%add3A_172, %dma_wait3A_173] : memref<128x128xi32, #tpu.memory_space<vmem>> -> memref<1x128xi32, #tpu.memory_space<vmem>>
      %dma_wait3A_175 = tpu.memref_squeeze %dma_wait3A_174 : memref<1x128xi32, #tpu.memory_space<vmem>> -> memref<128xi32, #tpu.memory_space<vmem>>
      %dma_wait3A_176 = arith.constant 0 : i32
      %dma_wait3A_177 = arith.constant 0 : i32
      %dma_wait3A_178 = tpu.memref_slice %arg2[%dma_wait3A_176, %dma_wait3A_177] : memref<100000x128xf32, #tpu.memory_space<hbm>> -> memref<100000x128xf32, #tpu.memory_space<hbm>>
      tpu.wait_indirect_dma semaphore(%arg12 : memref<!tpu.dma_semaphore, #tpu.memory_space<semaphore_mem>>) src(%dma_wait3A_178 : memref<100000x128xf32, #tpu.memory_space<hbm>>) dst(%arg8 : memref<128x128xf32, #tpu.memory_space<vmem>>)
      %dma_start3A_179 = arith.constant 0 : i32
      %dma_start3A_180 = arith.constant 0 : i32
      %dma_start3A_181 = tpu.memref_slice %arg4[%add3A, %add3A_172, %dma_start3A_179, %dma_start3A_180] : memref<32x128x128x128xf32, #tpu.memory_space<hbm>> -> memref<1x1x128x128xf32, #tpu.memory_space<hbm>>
      %dma_start3A_182 = tpu.memref_squeeze %dma_start3A_181 : memref<1x1x128x128xf32, #tpu.memory_space<hbm>> -> memref<128x128xf32, #tpu.memory_space<hbm>>
      %dma_start3A_183 = arith.constant 0 : i32
      %dma_start3A_184 = arith.constant 0 : i32
      %dma_start3A_185 = tpu.memref_slice %arg4[%add3A, %add3A_172, %dma_start3A_183, %dma_start3A_184] : memref<32x128x128x128xf32, #tpu.memory_space<hbm>> -> memref<1x1x128x128xf32, #tpu.memory_space<hbm>>
      %dma_start3A_186 = tpu.memref_squeeze %dma_start3A_185 : memref<1x1x128x128xf32, #tpu.memory_space<hbm>> -> memref<128x128xf32, #tpu.memory_space<hbm>>
      tpu.enqueue_dma source(%arg8 : memref<128x128xf32, #tpu.memory_space<vmem>>) target(%dma_start3A_186 : memref<128x128xf32, #tpu.memory_space<hbm>>) target_semaphore(%arg16 : memref<!tpu.dma_semaphore, #tpu.memory_space<semaphore_mem>>)
      %mul3A_187 = arith.constant 4 : i32
      %mul3A_188 = arith.muli %scan3A_132, %mul3A_187 : i32
      %add3A_189 = arith.constant 3 : i32
      %add3A_190 = arith.addi %mul3A_188, %add3A_189 : i32
      %dma_wait3A_191 = arith.constant 0 : i32
      %dma_wait3A_192 = tpu.memref_slice %arg5[%add3A_190, %dma_wait3A_191] : memref<128x128xi32, #tpu.memory_space<vmem>> -> memref<1x128xi32, #tpu.memory_space<vmem>>
      %dma_wait3A_193 = tpu.memref_squeeze %dma_wait3A_192 : memref<1x128xi32, #tpu.memory_space<vmem>> -> memref<128xi32, #tpu.memory_space<vmem>>
      %dma_wait3A_194 = arith.constant 0 : i32
      %dma_wait3A_195 = arith.constant 0 : i32
      %dma_wait3A_196 = tpu.memref_slice %arg2[%dma_wait3A_194, %dma_wait3A_195] : memref<100000x128xf32, #tpu.memory_space<hbm>> -> memref<100000x128xf32, #tpu.memory_space<hbm>>
      tpu.wait_indirect_dma semaphore(%arg13 : memref<!tpu.dma_semaphore, #tpu.memory_space<semaphore_mem>>) src(%dma_wait3A_196 : memref<100000x128xf32, #tpu.memory_space<hbm>>) dst(%arg9 : memref<128x128xf32, #tpu.memory_space<vmem>>)
      %dma_start3A_197 = arith.constant 0 : i32
      %dma_start3A_198 = arith.constant 0 : i32
      %dma_start3A_199 = tpu.memref_slice %arg4[%add3A, %add3A_190, %dma_start3A_197, %dma_start3A_198] : memref<32x128x128x128xf32, #tpu.memory_space<hbm>> -> memref<1x1x128x128xf32, #tpu.memory_space<hbm>>
      %dma_start3A_200 = tpu.memref_squeeze %dma_start3A_199 : memref<1x1x128x128xf32, #tpu.memory_space<hbm>> -> memref<128x128xf32, #tpu.memory_space<hbm>>
      %dma_start3A_201 = arith.constant 0 : i32
      %dma_start3A_202 = arith.constant 0 : i32
      %dma_start3A_203 = tpu.memref_slice %arg4[%add3A, %add3A_190, %dma_start3A_201, %dma_start3A_202] : memref<32x128x128x128xf32, #tpu.memory_space<hbm>> -> memref<1x1x128x128xf32, #tpu.memory_space<hbm>>
      %dma_start3A_204 = tpu.memref_squeeze %dma_start3A_203 : memref<1x1x128x128xf32, #tpu.memory_space<hbm>> -> memref<128x128xf32, #tpu.memory_space<hbm>>
      tpu.enqueue_dma source(%arg9 : memref<128x128xf32, #tpu.memory_space<vmem>>) target(%dma_start3A_204 : memref<128x128xf32, #tpu.memory_space<hbm>>) target_semaphore(%arg17 : memref<!tpu.dma_semaphore, #tpu.memory_space<semaphore_mem>>)
      %mul3A_205 = arith.constant 4 : i32
      %mul3A_206 = arith.muli %scan3A_132, %mul3A_205 : i32
      %add3A_207 = arith.constant 0 : i32
      %add3A_208 = arith.addi %mul3A_206, %add3A_207 : i32
      %dma_wait3A_209 = arith.constant 0 : i32
      %dma_wait3A_210 = arith.constant 0 : i32
      %dma_wait3A_211 = tpu.memref_slice %arg4[%add3A, %add3A_208, %dma_wait3A_209, %dma_wait3A_210] : memref<32x128x128x128xf32, #tpu.memory_space<hbm>> -> memref<1x1x128x128xf32, #tpu.memory_space<hbm>>
      %dma_wait3A_212 = tpu.memref_squeeze %dma_wait3A_211 : memref<1x1x128x128xf32, #tpu.memory_space<hbm>> -> memref<128x128xf32, #tpu.memory_space<hbm>>
      %dma_wait3A_213 = arith.constant 0 : i32
      %dma_wait3A_214 = arith.constant 0 : i32
      %dma_wait3A_215 = tpu.memref_slice %arg4[%add3A, %add3A_208, %dma_wait3A_213, %dma_wait3A_214] : memref<32x128x128x128xf32, #tpu.memory_space<hbm>> -> memref<1x1x128x128xf32, #tpu.memory_space<hbm>>
      %dma_wait3A_216 = tpu.memref_squeeze %dma_wait3A_215 : memref<1x1x128x128xf32, #tpu.memory_space<hbm>> -> memref<128x128xf32, #tpu.memory_space<hbm>>
      tpu.wait_dma2 semaphore(%arg14 : memref<!tpu.dma_semaphore, #tpu.memory_space<semaphore_mem>>) src(%arg6 : memref<128x128xf32, #tpu.memory_space<vmem>>) dst(%dma_wait3A_216 : memref<128x128xf32, #tpu.memory_space<hbm>>)
      %add3A_217 = arith.constant 4 : i32
      %add3A_218 = arith.addi %add3A_208, %add3A_217 : i32
      %dma_start3A_219 = arith.constant 0 : i32
      %dma_start3A_220 = tpu.memref_slice %arg5[%add3A_218, %dma_start3A_219] : memref<128x128xi32, #tpu.memory_space<vmem>> -> memref<1x128xi32, #tpu.memory_space<vmem>>
      %dma_start3A_221 = tpu.memref_squeeze %dma_start3A_220 : memref<1x128xi32, #tpu.memory_space<vmem>> -> memref<128xi32, #tpu.memory_space<vmem>>
      %dma_start3A_222 = arith.constant 0 : i32
      %dma_start3A_223 = arith.constant 0 : i32
      %dma_start3A_224 = tpu.memref_slice %arg2[%dma_start3A_222, %dma_start3A_223] : memref<100000x128xf32, #tpu.memory_space<hbm>> -> memref<100000x128xf32, #tpu.memory_space<hbm>>
      tpu.enqueue_indirect_dma source(%dma_start3A_224 : memref<100000x128xf32, #tpu.memory_space<hbm>>) target(%arg6 : memref<128x128xf32, #tpu.memory_space<vmem>>) offsets(%dma_start3A_221 : memref<128xi32, #tpu.memory_space<vmem>>) semaphore(%arg10 : memref<!tpu.dma_semaphore, #tpu.memory_space<semaphore_mem>>)
      %mul3A_225 = arith.constant 4 : i32
      %mul3A_226 = arith.muli %scan3A_132, %mul3A_225 : i32
      %add3A_227 = arith.constant 1 : i32
      %add3A_228 = arith.addi %mul3A_226, %add3A_227 : i32
      %dma_wait3A_229 = arith.constant 0 : i32
      %dma_wait3A_230 = arith.constant 0 : i32
      %dma_wait3A_231 = tpu.memref_slice %arg4[%add3A, %add3A_228, %dma_wait3A_229, %dma_wait3A_230] : memref<32x128x128x128xf32, #tpu.memory_space<hbm>> -> memref<1x1x128x128xf32, #tpu.memory_space<hbm>>
      %dma_wait3A_232 = tpu.memref_squeeze %dma_wait3A_231 : memref<1x1x128x128xf32, #tpu.memory_space<hbm>> -> memref<128x128xf32, #tpu.memory_space<hbm>>
      %dma_wait3A_233 = arith.constant 0 : i32
      %dma_wait3A_234 = arith.constant 0 : i32
      %dma_wait3A_235 = tpu.memref_slice %arg4[%add3A, %add3A_228, %dma_wait3A_233, %dma_wait3A_234] : memref<32x128x128x128xf32, #tpu.memory_space<hbm>> -> memref<1x1x128x128xf32, #tpu.memory_space<hbm>>
      %dma_wait3A_236 = tpu.memref_squeeze %dma_wait3A_235 : memref<1x1x128x128xf32, #tpu.memory_space<hbm>> -> memref<128x128xf32, #tpu.memory_space<hbm>>
      tpu.wait_dma2 semaphore(%arg15 : memref<!tpu.dma_semaphore, #tpu.memory_space<semaphore_mem>>) src(%arg7 : memref<128x128xf32, #tpu.memory_space<vmem>>) dst(%dma_wait3A_236 : memref<128x128xf32, #tpu.memory_space<hbm>>)
      %add3A_237 = arith.constant 4 : i32
      %add3A_238 = arith.addi %add3A_228, %add3A_237 : i32
      %dma_start3A_239 = arith.constant 0 : i32
      %dma_start3A_240 = tpu.memref_slice %arg5[%add3A_238, %dma_start3A_239] : memref<128x128xi32, #tpu.memory_space<vmem>> -> memref<1x128xi32, #tpu.memory_space<vmem>>
      %dma_start3A_241 = tpu.memref_squeeze %dma_start3A_240 : memref<1x128xi32, #tpu.memory_space<vmem>> -> memref<128xi32, #tpu.memory_space<vmem>>
      %dma_start3A_242 = arith.constant 0 : i32
      %dma_start3A_243 = arith.constant 0 : i32
      %dma_start3A_244 = tpu.memref_slice %arg2[%dma_start3A_242, %dma_start3A_243] : memref<100000x128xf32, #tpu.memory_space<hbm>> -> memref<100000x128xf32, #tpu.memory_space<hbm>>
      tpu.enqueue_indirect_dma source(%dma_start3A_244 : memref<100000x128xf32, #tpu.memory_space<hbm>>) target(%arg7 : memref<128x128xf32, #tpu.memory_space<vmem>>) offsets(%dma_start3A_241 : memref<128xi32, #tpu.memory_space<vmem>>) semaphore(%arg11 : memref<!tpu.dma_semaphore, #tpu.memory_space<semaphore_mem>>)
      %mul3A_245 = arith.constant 4 : i32
      %mul3A_246 = arith.muli %scan3A_132, %mul3A_245 : i32
      %add3A_247 = arith.constant 2 : i32
      %add3A_248 = arith.addi %mul3A_246, %add3A_247 : i32
      %dma_wait3A_249 = arith.constant 0 : i32
      %dma_wait3A_250 = arith.constant 0 : i32
      %dma_wait3A_251 = tpu.memref_slice %arg4[%add3A, %add3A_248, %dma_wait3A_249, %dma_wait3A_250] : memref<32x128x128x128xf32, #tpu.memory_space<hbm>> -> memref<1x1x128x128xf32, #tpu.memory_space<hbm>>
      %dma_wait3A_252 = tpu.memref_squeeze %dma_wait3A_251 : memref<1x1x128x128xf32, #tpu.memory_space<hbm>> -> memref<128x128xf32, #tpu.memory_space<hbm>>
      %dma_wait3A_253 = arith.constant 0 : i32
      %dma_wait3A_254 = arith.constant 0 : i32
      %dma_wait3A_255 = tpu.memref_slice %arg4[%add3A, %add3A_248, %dma_wait3A_253, %dma_wait3A_254] : memref<32x128x128x128xf32, #tpu.memory_space<hbm>> -> memref<1x1x128x128xf32, #tpu.memory_space<hbm>>
      %dma_wait3A_256 = tpu.memref_squeeze %dma_wait3A_255 : memref<1x1x128x128xf32, #tpu.memory_space<hbm>> -> memref<128x128xf32, #tpu.memory_space<hbm>>
      tpu.wait_dma2 semaphore(%arg16 : memref<!tpu.dma_semaphore, #tpu.memory_space<semaphore_mem>>) src(%arg8 : memref<128x128xf32, #tpu.memory_space<vmem>>) dst(%dma_wait3A_256 : memref<128x128xf32, #tpu.memory_space<hbm>>)
      %add3A_257 = arith.constant 4 : i32
      %add3A_258 = arith.addi %add3A_248, %add3A_257 : i32
      %dma_start3A_259 = arith.constant 0 : i32
      %dma_start3A_260 = tpu.memref_slice %arg5[%add3A_258, %dma_start3A_259] : memref<128x128xi32, #tpu.memory_space<vmem>> -> memref<1x128xi32, #tpu.memory_space<vmem>>
      %dma_start3A_261 = tpu.memref_squeeze %dma_start3A_260 : memref<1x128xi32, #tpu.memory_space<vmem>> -> memref<128xi32, #tpu.memory_space<vmem>>
      %dma_start3A_262 = arith.constant 0 : i32
      %dma_start3A_263 = arith.constant 0 : i32
      %dma_start3A_264 = tpu.memref_slice %arg2[%dma_start3A_262, %dma_start3A_263] : memref<100000x128xf32, #tpu.memory_space<hbm>> -> memref<100000x128xf32, #tpu.memory_space<hbm>>
      tpu.enqueue_indirect_dma source(%dma_start3A_264 : memref<100000x128xf32, #tpu.memory_space<hbm>>) target(%arg8 : memref<128x128xf32, #tpu.memory_space<vmem>>) offsets(%dma_start3A_261 : memref<128xi32, #tpu.memory_space<vmem>>) semaphore(%arg12 : memref<!tpu.dma_semaphore, #tpu.memory_space<semaphore_mem>>)
      %mul3A_265 = arith.constant 4 : i32
      %mul3A_266 = arith.muli %scan3A_132, %mul3A_265 : i32
      %add3A_267 = arith.constant 3 : i32
      %add3A_268 = arith.addi %mul3A_266, %add3A_267 : i32
      %dma_wait3A_269 = arith.constant 0 : i32
      %dma_wait3A_270 = arith.constant 0 : i32
      %dma_wait3A_271 = tpu.memref_slice %arg4[%add3A, %add3A_268, %dma_wait3A_269, %dma_wait3A_270] : memref<32x128x128x128xf32, #tpu.memory_space<hbm>> -> memref<1x1x128x128xf32, #tpu.memory_space<hbm>>
      %dma_wait3A_272 = tpu.memref_squeeze %dma_wait3A_271 : memref<1x1x128x128xf32, #tpu.memory_space<hbm>> -> memref<128x128xf32, #tpu.memory_space<hbm>>
      %dma_wait3A_273 = arith.constant 0 : i32
      %dma_wait3A_274 = arith.constant 0 : i32
      %dma_wait3A_275 = tpu.memref_slice %arg4[%add3A, %add3A_268, %dma_wait3A_273, %dma_wait3A_274] : memref<32x128x128x128xf32, #tpu.memory_space<hbm>> -> memref<1x1x128x128xf32, #tpu.memory_space<hbm>>
      %dma_wait3A_276 = tpu.memref_squeeze %dma_wait3A_275 : memref<1x1x128x128xf32, #tpu.memory_space<hbm>> -> memref<128x128xf32, #tpu.memory_space<hbm>>
      tpu.wait_dma2 semaphore(%arg17 : memref<!tpu.dma_semaphore, #tpu.memory_space<semaphore_mem>>) src(%arg9 : memref<128x128xf32, #tpu.memory_space<vmem>>) dst(%dma_wait3A_276 : memref<128x128xf32, #tpu.memory_space<hbm>>)
      %add3A_277 = arith.constant 4 : i32
      %add3A_278 = arith.addi %add3A_268, %add3A_277 : i32
      %dma_start3A_279 = arith.constant 0 : i32
      %dma_start3A_280 = tpu.memref_slice %arg5[%add3A_278, %dma_start3A_279] : memref<128x128xi32, #tpu.memory_space<vmem>> -> memref<1x128xi32, #tpu.memory_space<vmem>>
      %dma_start3A_281 = tpu.memref_squeeze %dma_start3A_280 : memref<1x128xi32, #tpu.memory_space<vmem>> -> memref<128xi32, #tpu.memory_space<vmem>>
      %dma_start3A_282 = arith.constant 0 : i32
      %dma_start3A_283 = arith.constant 0 : i32
      %dma_start3A_284 = tpu.memref_slice %arg2[%dma_start3A_282, %dma_start3A_283] : memref<100000x128xf32, #tpu.memory_space<hbm>> -> memref<100000x128xf32, #tpu.memory_space<hbm>>
      tpu.enqueue_indirect_dma source(%dma_start3A_284 : memref<100000x128xf32, #tpu.memory_space<hbm>>) target(%arg9 : memref<128x128xf32, #tpu.memory_space<vmem>>) offsets(%dma_start3A_281 : memref<128xi32, #tpu.memory_space<vmem>>) semaphore(%arg13 : memref<!tpu.dma_semaphore, #tpu.memory_space<semaphore_mem>>)
    }
    %scan3A_32 = arith.constant 31 : i32
    %dma_wait3A = arith.constant 124 : i32
    %dma_wait3A_33 = arith.constant 0 : i32
    %dma_wait3A_34 = tpu.memref_slice %arg5[%dma_wait3A, %dma_wait3A_33] : memref<128x128xi32, #tpu.memory_space<vmem>> -> memref<1x128xi32, #tpu.memory_space<vmem>>
    %dma_wait3A_35 = tpu.memref_squeeze %dma_wait3A_34 : memref<1x128xi32, #tpu.memory_space<vmem>> -> memref<128xi32, #tpu.memory_space<vmem>>
    %dma_wait3A_36 = arith.constant 0 : i32
    %dma_wait3A_37 = arith.constant 0 : i32
    %dma_wait3A_38 = tpu.memref_slice %arg2[%dma_wait3A_36, %dma_wait3A_37] : memref<100000x128xf32, #tpu.memory_space<hbm>> -> memref<100000x128xf32, #tpu.memory_space<hbm>>
    tpu.wait_indirect_dma semaphore(%arg10 : memref<!tpu.dma_semaphore, #tpu.memory_space<semaphore_mem>>) src(%dma_wait3A_38 : memref<100000x128xf32, #tpu.memory_space<hbm>>) dst(%arg6 : memref<128x128xf32, #tpu.memory_space<vmem>>)
    %dma_start3A_39 = arith.constant 124 : i32
    %dma_start3A_40 = arith.constant 0 : i32
    %dma_start3A_41 = arith.constant 0 : i32
    %dma_start3A_42 = tpu.memref_slice %arg4[%add3A, %dma_start3A_39, %dma_start3A_40, %dma_start3A_41] : memref<32x128x128x128xf32, #tpu.memory_space<hbm>> -> memref<1x1x128x128xf32, #tpu.memory_space<hbm>>
    %dma_start3A_43 = tpu.memref_squeeze %dma_start3A_42 : memref<1x1x128x128xf32, #tpu.memory_space<hbm>> -> memref<128x128xf32, #tpu.memory_space<hbm>>
    %dma_start3A_44 = arith.constant 0 : i32
    %dma_start3A_45 = arith.constant 0 : i32
    %dma_start3A_46 = tpu.memref_slice %arg4[%add3A, %dma_start3A_39, %dma_start3A_44, %dma_start3A_45] : memref<32x128x128x128xf32, #tpu.memory_space<hbm>> -> memref<1x1x128x128xf32, #tpu.memory_space<hbm>>
    %dma_start3A_47 = tpu.memref_squeeze %dma_start3A_46 : memref<1x1x128x128xf32, #tpu.memory_space<hbm>> -> memref<128x128xf32, #tpu.memory_space<hbm>>
    tpu.enqueue_dma source(%arg6 : memref<128x128xf32, #tpu.memory_space<vmem>>) target(%dma_start3A_47 : memref<128x128xf32, #tpu.memory_space<hbm>>) target_semaphore(%arg14 : memref<!tpu.dma_semaphore, #tpu.memory_space<semaphore_mem>>)
    %dma_wait3A_48 = arith.constant 125 : i32
    %dma_wait3A_49 = arith.constant 0 : i32
    %dma_wait3A_50 = tpu.memref_slice %arg5[%dma_wait3A_48, %dma_wait3A_49] : memref<128x128xi32, #tpu.memory_space<vmem>> -> memref<1x128xi32, #tpu.memory_space<vmem>>
    %dma_wait3A_51 = tpu.memref_squeeze %dma_wait3A_50 : memref<1x128xi32, #tpu.memory_space<vmem>> -> memref<128xi32, #tpu.memory_space<vmem>>
    %dma_wait3A_52 = arith.constant 0 : i32
    %dma_wait3A_53 = arith.constant 0 : i32
    %dma_wait3A_54 = tpu.memref_slice %arg2[%dma_wait3A_52, %dma_wait3A_53] : memref<100000x128xf32, #tpu.memory_space<hbm>> -> memref<100000x128xf32, #tpu.memory_space<hbm>>
    tpu.wait_indirect_dma semaphore(%arg11 : memref<!tpu.dma_semaphore, #tpu.memory_space<semaphore_mem>>) src(%dma_wait3A_54 : memref<100000x128xf32, #tpu.memory_space<hbm>>) dst(%arg7 : memref<128x128xf32, #tpu.memory_space<vmem>>)
    %dma_start3A_55 = arith.constant 125 : i32
    %dma_start3A_56 = arith.constant 0 : i32
    %dma_start3A_57 = arith.constant 0 : i32
    %dma_start3A_58 = tpu.memref_slice %arg4[%add3A, %dma_start3A_55, %dma_start3A_56, %dma_start3A_57] : memref<32x128x128x128xf32, #tpu.memory_space<hbm>> -> memref<1x1x128x128xf32, #tpu.memory_space<hbm>>
    %dma_start3A_59 = tpu.memref_squeeze %dma_start3A_58 : memref<1x1x128x128xf32, #tpu.memory_space<hbm>> -> memref<128x128xf32, #tpu.memory_space<hbm>>
    %dma_start3A_60 = arith.constant 0 : i32
    %dma_start3A_61 = arith.constant 0 : i32
    %dma_start3A_62 = tpu.memref_slice %arg4[%add3A, %dma_start3A_55, %dma_start3A_60, %dma_start3A_61] : memref<32x128x128x128xf32, #tpu.memory_space<hbm>> -> memref<1x1x128x128xf32, #tpu.memory_space<hbm>>
    %dma_start3A_63 = tpu.memref_squeeze %dma_start3A_62 : memref<1x1x128x128xf32, #tpu.memory_space<hbm>> -> memref<128x128xf32, #tpu.memory_space<hbm>>
    tpu.enqueue_dma source(%arg7 : memref<128x128xf32, #tpu.memory_space<vmem>>) target(%dma_start3A_63 : memref<128x128xf32, #tpu.memory_space<hbm>>) target_semaphore(%arg15 : memref<!tpu.dma_semaphore, #tpu.memory_space<semaphore_mem>>)
    %dma_wait3A_64 = arith.constant 126 : i32
    %dma_wait3A_65 = arith.constant 0 : i32
    %dma_wait3A_66 = tpu.memref_slice %arg5[%dma_wait3A_64, %dma_wait3A_65] : memref<128x128xi32, #tpu.memory_space<vmem>> -> memref<1x128xi32, #tpu.memory_space<vmem>>
    %dma_wait3A_67 = tpu.memref_squeeze %dma_wait3A_66 : memref<1x128xi32, #tpu.memory_space<vmem>> -> memref<128xi32, #tpu.memory_space<vmem>>
    %dma_wait3A_68 = arith.constant 0 : i32
    %dma_wait3A_69 = arith.constant 0 : i32
    %dma_wait3A_70 = tpu.memref_slice %arg2[%dma_wait3A_68, %dma_wait3A_69] : memref<100000x128xf32, #tpu.memory_space<hbm>> -> memref<100000x128xf32, #tpu.memory_space<hbm>>
    tpu.wait_indirect_dma semaphore(%arg12 : memref<!tpu.dma_semaphore, #tpu.memory_space<semaphore_mem>>) src(%dma_wait3A_70 : memref<100000x128xf32, #tpu.memory_space<hbm>>) dst(%arg8 : memref<128x128xf32, #tpu.memory_space<vmem>>)
    %dma_start3A_71 = arith.constant 126 : i32
    %dma_start3A_72 = arith.constant 0 : i32
    %dma_start3A_73 = arith.constant 0 : i32
    %dma_start3A_74 = tpu.memref_slice %arg4[%add3A, %dma_start3A_71, %dma_start3A_72, %dma_start3A_73] : memref<32x128x128x128xf32, #tpu.memory_space<hbm>> -> memref<1x1x128x128xf32, #tpu.memory_space<hbm>>
    %dma_start3A_75 = tpu.memref_squeeze %dma_start3A_74 : memref<1x1x128x128xf32, #tpu.memory_space<hbm>> -> memref<128x128xf32, #tpu.memory_space<hbm>>
    %dma_start3A_76 = arith.constant 0 : i32
    %dma_start3A_77 = arith.constant 0 : i32
    %dma_start3A_78 = tpu.memref_slice %arg4[%add3A, %dma_start3A_71, %dma_start3A_76, %dma_start3A_77] : memref<32x128x128x128xf32, #tpu.memory_space<hbm>> -> memref<1x1x128x128xf32, #tpu.memory_space<hbm>>
    %dma_start3A_79 = tpu.memref_squeeze %dma_start3A_78 : memref<1x1x128x128xf32, #tpu.memory_space<hbm>> -> memref<128x128xf32, #tpu.memory_space<hbm>>
    tpu.enqueue_dma source(%arg8 : memref<128x128xf32, #tpu.memory_space<vmem>>) target(%dma_start3A_79 : memref<128x128xf32, #tpu.memory_space<hbm>>) target_semaphore(%arg16 : memref<!tpu.dma_semaphore, #tpu.memory_space<semaphore_mem>>)
    %dma_wait3A_80 = arith.constant 127 : i32
    %dma_wait3A_81 = arith.constant 0 : i32
    %dma_wait3A_82 = tpu.memref_slice %arg5[%dma_wait3A_80, %dma_wait3A_81] : memref<128x128xi32, #tpu.memory_space<vmem>> -> memref<1x128xi32, #tpu.memory_space<vmem>>
    %dma_wait3A_83 = tpu.memref_squeeze %dma_wait3A_82 : memref<1x128xi32, #tpu.memory_space<vmem>> -> memref<128xi32, #tpu.memory_space<vmem>>
    %dma_wait3A_84 = arith.constant 0 : i32
    %dma_wait3A_85 = arith.constant 0 : i32
    %dma_wait3A_86 = tpu.memref_slice %arg2[%dma_wait3A_84, %dma_wait3A_85] : memref<100000x128xf32, #tpu.memory_space<hbm>> -> memref<100000x128xf32, #tpu.memory_space<hbm>>
    tpu.wait_indirect_dma semaphore(%arg13 : memref<!tpu.dma_semaphore, #tpu.memory_space<semaphore_mem>>) src(%dma_wait3A_86 : memref<100000x128xf32, #tpu.memory_space<hbm>>) dst(%arg9 : memref<128x128xf32, #tpu.memory_space<vmem>>)
    %dma_start3A_87 = arith.constant 127 : i32
    %dma_start3A_88 = arith.constant 0 : i32
    %dma_start3A_89 = arith.constant 0 : i32
    %dma_start3A_90 = tpu.memref_slice %arg4[%add3A, %dma_start3A_87, %dma_start3A_88, %dma_start3A_89] : memref<32x128x128x128xf32, #tpu.memory_space<hbm>> -> memref<1x1x128x128xf32, #tpu.memory_space<hbm>>
    %dma_start3A_91 = tpu.memref_squeeze %dma_start3A_90 : memref<1x1x128x128xf32, #tpu.memory_space<hbm>> -> memref<128x128xf32, #tpu.memory_space<hbm>>
    %dma_start3A_92 = arith.constant 0 : i32
    %dma_start3A_93 = arith.constant 0 : i32
    %dma_start3A_94 = tpu.memref_slice %arg4[%add3A, %dma_start3A_87, %dma_start3A_92, %dma_start3A_93] : memref<32x128x128x128xf32, #tpu.memory_space<hbm>> -> memref<1x1x128x128xf32, #tpu.memory_space<hbm>>
    %dma_start3A_95 = tpu.memref_squeeze %dma_start3A_94 : memref<1x1x128x128xf32, #tpu.memory_space<hbm>> -> memref<128x128xf32, #tpu.memory_space<hbm>>
    tpu.enqueue_dma source(%arg9 : memref<128x128xf32, #tpu.memory_space<vmem>>) target(%dma_start3A_95 : memref<128x128xf32, #tpu.memory_space<hbm>>) target_semaphore(%arg17 : memref<!tpu.dma_semaphore, #tpu.memory_space<semaphore_mem>>)
    %dma_wait3A_96 = arith.constant 124 : i32
    %dma_wait3A_97 = arith.constant 0 : i32
    %dma_wait3A_98 = arith.constant 0 : i32
    %dma_wait3A_99 = tpu.memref_slice %arg4[%add3A, %dma_wait3A_96, %dma_wait3A_97, %dma_wait3A_98] : memref<32x128x128x128xf32, #tpu.memory_space<hbm>> -> memref<1x1x128x128xf32, #tpu.memory_space<hbm>>
    %dma_wait3A_100 = tpu.memref_squeeze %dma_wait3A_99 : memref<1x1x128x128xf32, #tpu.memory_space<hbm>> -> memref<128x128xf32, #tpu.memory_space<hbm>>
    %dma_wait3A_101 = arith.constant 0 : i32
    %dma_wait3A_102 = arith.constant 0 : i32
    %dma_wait3A_103 = tpu.memref_slice %arg4[%add3A, %dma_wait3A_96, %dma_wait3A_101, %dma_wait3A_102] : memref<32x128x128x128xf32, #tpu.memory_space<hbm>> -> memref<1x1x128x128xf32, #tpu.memory_space<hbm>>
    %dma_wait3A_104 = tpu.memref_squeeze %dma_wait3A_103 : memref<1x1x128x128xf32, #tpu.memory_space<hbm>> -> memref<128x128xf32, #tpu.memory_space<hbm>>
    tpu.wait_dma2 semaphore(%arg14 : memref<!tpu.dma_semaphore, #tpu.memory_space<semaphore_mem>>) src(%arg6 : memref<128x128xf32, #tpu.memory_space<vmem>>) dst(%dma_wait3A_104 : memref<128x128xf32, #tpu.memory_space<hbm>>)
    %dma_wait3A_105 = arith.constant 125 : i32
    %dma_wait3A_106 = arith.constant 0 : i32
    %dma_wait3A_107 = arith.constant 0 : i32
    %dma_wait3A_108 = tpu.memref_slice %arg4[%add3A, %dma_wait3A_105, %dma_wait3A_106, %dma_wait3A_107] : memref<32x128x128x128xf32, #tpu.memory_space<hbm>> -> memref<1x1x128x128xf32, #tpu.memory_space<hbm>>
    %dma_wait3A_109 = tpu.memref_squeeze %dma_wait3A_108 : memref<1x1x128x128xf32, #tpu.memory_space<hbm>> -> memref<128x128xf32, #tpu.memory_space<hbm>>
    %dma_wait3A_110 = arith.constant 0 : i32
    %dma_wait3A_111 = arith.constant 0 : i32
    %dma_wait3A_112 = tpu.memref_slice %arg4[%add3A, %dma_wait3A_105, %dma_wait3A_110, %dma_wait3A_111] : memref<32x128x128x128xf32, #tpu.memory_space<hbm>> -> memref<1x1x128x128xf32, #tpu.memory_space<hbm>>
    %dma_wait3A_113 = tpu.memref_squeeze %dma_wait3A_112 : memref<1x1x128x128xf32, #tpu.memory_space<hbm>> -> memref<128x128xf32, #tpu.memory_space<hbm>>
    tpu.wait_dma2 semaphore(%arg15 : memref<!tpu.dma_semaphore, #tpu.memory_space<semaphore_mem>>) src(%arg7 : memref<128x128xf32, #tpu.memory_space<vmem>>) dst(%dma_wait3A_113 : memref<128x128xf32, #tpu.memory_space<hbm>>)
    %dma_wait3A_114 = arith.constant 126 : i32
    %dma_wait3A_115 = arith.constant 0 : i32
    %dma_wait3A_116 = arith.constant 0 : i32
    %dma_wait3A_117 = tpu.memref_slice %arg4[%add3A, %dma_wait3A_114, %dma_wait3A_115, %dma_wait3A_116] : memref<32x128x128x128xf32, #tpu.memory_space<hbm>> -> memref<1x1x128x128xf32, #tpu.memory_space<hbm>>
    %dma_wait3A_118 = tpu.memref_squeeze %dma_wait3A_117 : memref<1x1x128x128xf32, #tpu.memory_space<hbm>> -> memref<128x128xf32, #tpu.memory_space<hbm>>
    %dma_wait3A_119 = arith.constant 0 : i32
    %dma_wait3A_120 = arith.constant 0 : i32
    %dma_wait3A_121 = tpu.memref_slice %arg4[%add3A, %dma_wait3A_114, %dma_wait3A_119, %dma_wait3A_120] : memref<32x128x128x128xf32, #tpu.memory_space<hbm>> -> memref<1x1x128x128xf32, #tpu.memory_space<hbm>>
    %dma_wait3A_122 = tpu.memref_squeeze %dma_wait3A_121 : memref<1x1x128x128xf32, #tpu.memory_space<hbm>> -> memref<128x128xf32, #tpu.memory_space<hbm>>
    tpu.wait_dma2 semaphore(%arg16 : memref<!tpu.dma_semaphore, #tpu.memory_space<semaphore_mem>>) src(%arg8 : memref<128x128xf32, #tpu.memory_space<vmem>>) dst(%dma_wait3A_122 : memref<128x128xf32, #tpu.memory_space<hbm>>)
    %dma_wait3A_123 = arith.constant 127 : i32
    %dma_wait3A_124 = arith.constant 0 : i32
    %dma_wait3A_125 = arith.constant 0 : i32
    %dma_wait3A_126 = tpu.memref_slice %arg4[%add3A, %dma_wait3A_123, %dma_wait3A_124, %dma_wait3A_125] : memref<32x128x128x128xf32, #tpu.memory_space<hbm>> -> memref<1x1x128x128xf32, #tpu.memory_space<hbm>>
    %dma_wait3A_127 = tpu.memref_squeeze %dma_wait3A_126 : memref<1x1x128x128xf32, #tpu.memory_space<hbm>> -> memref<128x128xf32, #tpu.memory_space<hbm>>
    %dma_wait3A_128 = arith.constant 0 : i32
    %dma_wait3A_129 = arith.constant 0 : i32
    %dma_wait3A_130 = tpu.memref_slice %arg4[%add3A, %dma_wait3A_123, %dma_wait3A_128, %dma_wait3A_129] : memref<32x128x128x128xf32, #tpu.memory_space<hbm>> -> memref<1x1x128x128xf32, #tpu.memory_space<hbm>>
    %dma_wait3A_131 = tpu.memref_squeeze %dma_wait3A_130 : memref<1x1x128x128xf32, #tpu.memory_space<hbm>> -> memref<128x128xf32, #tpu.memory_space<hbm>>
    tpu.wait_dma2 semaphore(%arg17 : memref<!tpu.dma_semaphore, #tpu.memory_space<semaphore_mem>>) src(%arg9 : memref<128x128xf32, #tpu.memory_space<vmem>>) dst(%dma_wait3A_131 : memref<128x128xf32, #tpu.memory_space<hbm>>)
    return
  }
}

module attributes {stable_mosaic.version = 14 : i64} {
  func.func @_tc_body(%arg0: i32, %arg1: memref<512x128xf32, #tpu.memory_space<vmem>>, %arg2: memref<16x512x128xf32, #tpu.memory_space<vmem>>, %arg3: memref<512x16xi32, #tpu.memory_space<vmem>>, %arg4: memref<128x128xf32, #tpu.memory_space<vmem>>, %arg5: memref<1x128xf32, #tpu.memory_space<vmem>>, %arg6: memref<512x128xf32, #tpu.memory_space<vmem>>) attributes {dimension_semantics = [#tpu.dimension_semantics<arbitrary>], iteration_bounds = array<i64: 196>, scalar_prefetch = 0 : i64, scratch_operands = 0 : i64, tpu.core_type = #tpu.core_type<tc>, window_params = [{transform_indices = @transform_0, window_bounds = array<i64: 512, 128>}, {transform_indices = @transform_1, window_bounds = array<i64: 16, 512, 128>}, {transform_indices = @transform_2, window_bounds = array<i64: 512, 16>}, {pipeline_mode = #tpu.pipeline_mode<synchronous>, transform_indices = @transform_3, window_bounds = array<i64: 128, 128>}, {pipeline_mode = #tpu.pipeline_mode<synchronous>, transform_indices = @transform_4, window_bounds = array<i64: 1, 128>}, {transform_indices = @transform_5, window_bounds = array<i64: 512, 128>}]} {
    %get3A = arith.constant 0 : index
    %get3A_0 = arith.constant 0 : index
    %get3A_1 = vector.load %arg4[%get3A, %get3A_0] : memref<128x128xf32, #tpu.memory_space<vmem>>, vector<128x128xf32>
    %get3A_2 = arith.constant 0 : index
    %get3A_3 = arith.constant 0 : index
    %get3A_4 = vector.load %arg5[%get3A_2, %get3A_3] : memref<1x128xf32, #tpu.memory_space<vmem>>, vector<1x128xf32>
    %lt3A = arith.constant 64 : i32
    %lt3A_5 = arith.cmpi slt, %arg0, %lt3A : i32
    %convert_element_type3A = arith.extui %lt3A_5 : i1 to i32
    %cond3A = arith.constant 0 : i32
    %cond3A_6 = arith.cmpi ne, %convert_element_type3A, %cond3A : i32
    scf.if %cond3A_6 {
      %get3A_11 = arith.constant 0 : index
      %get3A_12 = arith.constant 0 : index
      %get3A_13 = vector.load %arg1[%get3A_11, %get3A_12] : memref<512x128xf32, #tpu.memory_space<vmem>>, vector<512x128xf32>
      %get3A_14 = arith.constant 0 : index
      %get3A_15 = arith.constant 0 : index
      %get3A_16 = arith.constant 0 : index
      %get3A_17 = vector.load %arg2[%get3A_14, %get3A_15, %get3A_16] : memref<16x512x128xf32, #tpu.memory_space<vmem>>, vector<1x512x128xf32>
      %get3A_18 = vector.shape_cast %get3A_17 : vector<1x512x128xf32> to vector<512x128xf32>
      %mul3A = arith.mulf %get3A_18, %get3A_13 : vector<512x128xf32>
      %reduce_sum3A = arith.constant dense<0.000000e+00> : vector<512xf32>
      %reduce_sum3A_19 = vector.multi_reduction <add>, %mul3A, %reduce_sum3A [1] : vector<512x128xf32> to vector<512xf32>
      %broadcast_in_dim3A = vector.shape_cast %reduce_sum3A_19 : vector<512xf32> to vector<512x1xf32>
      %get3A_20 = arith.constant 1 : index
      %get3A_21 = arith.constant 0 : index
      %get3A_22 = arith.constant 0 : index
      %get3A_23 = vector.load %arg2[%get3A_20, %get3A_21, %get3A_22] : memref<16x512x128xf32, #tpu.memory_space<vmem>>, vector<1x512x128xf32>
      %get3A_24 = vector.shape_cast %get3A_23 : vector<1x512x128xf32> to vector<512x128xf32>
      %mul3A_25 = arith.mulf %get3A_24, %get3A_13 : vector<512x128xf32>
      %reduce_sum3A_26 = arith.constant dense<0.000000e+00> : vector<512xf32>
      %reduce_sum3A_27 = vector.multi_reduction <add>, %mul3A_25, %reduce_sum3A_26 [1] : vector<512x128xf32> to vector<512xf32>
      %broadcast_in_dim3A_28 = vector.shape_cast %reduce_sum3A_27 : vector<512xf32> to vector<512x1xf32>
      %get3A_29 = arith.constant 2 : index
      %get3A_30 = arith.constant 0 : index
      %get3A_31 = arith.constant 0 : index
      %get3A_32 = vector.load %arg2[%get3A_29, %get3A_30, %get3A_31] : memref<16x512x128xf32, #tpu.memory_space<vmem>>, vector<1x512x128xf32>
      %get3A_33 = vector.shape_cast %get3A_32 : vector<1x512x128xf32> to vector<512x128xf32>
      %mul3A_34 = arith.mulf %get3A_33, %get3A_13 : vector<512x128xf32>
      %reduce_sum3A_35 = arith.constant dense<0.000000e+00> : vector<512xf32>
      %reduce_sum3A_36 = vector.multi_reduction <add>, %mul3A_34, %reduce_sum3A_35 [1] : vector<512x128xf32> to vector<512xf32>
      %broadcast_in_dim3A_37 = vector.shape_cast %reduce_sum3A_36 : vector<512xf32> to vector<512x1xf32>
      %get3A_38 = arith.constant 3 : index
      %get3A_39 = arith.constant 0 : index
      %get3A_40 = arith.constant 0 : index
      %get3A_41 = vector.load %arg2[%get3A_38, %get3A_39, %get3A_40] : memref<16x512x128xf32, #tpu.memory_space<vmem>>, vector<1x512x128xf32>
      %get3A_42 = vector.shape_cast %get3A_41 : vector<1x512x128xf32> to vector<512x128xf32>
      %mul3A_43 = arith.mulf %get3A_42, %get3A_13 : vector<512x128xf32>
      %reduce_sum3A_44 = arith.constant dense<0.000000e+00> : vector<512xf32>
      %reduce_sum3A_45 = vector.multi_reduction <add>, %mul3A_43, %reduce_sum3A_44 [1] : vector<512x128xf32> to vector<512xf32>
      %broadcast_in_dim3A_46 = vector.shape_cast %reduce_sum3A_45 : vector<512xf32> to vector<512x1xf32>
      %get3A_47 = arith.constant 4 : index
      %get3A_48 = arith.constant 0 : index
      %get3A_49 = arith.constant 0 : index
      %get3A_50 = vector.load %arg2[%get3A_47, %get3A_48, %get3A_49] : memref<16x512x128xf32, #tpu.memory_space<vmem>>, vector<1x512x128xf32>
      %get3A_51 = vector.shape_cast %get3A_50 : vector<1x512x128xf32> to vector<512x128xf32>
      %mul3A_52 = arith.mulf %get3A_51, %get3A_13 : vector<512x128xf32>
      %reduce_sum3A_53 = arith.constant dense<0.000000e+00> : vector<512xf32>
      %reduce_sum3A_54 = vector.multi_reduction <add>, %mul3A_52, %reduce_sum3A_53 [1] : vector<512x128xf32> to vector<512xf32>
      %broadcast_in_dim3A_55 = vector.shape_cast %reduce_sum3A_54 : vector<512xf32> to vector<512x1xf32>
      %get3A_56 = arith.constant 5 : index
      %get3A_57 = arith.constant 0 : index
      %get3A_58 = arith.constant 0 : index
      %get3A_59 = vector.load %arg2[%get3A_56, %get3A_57, %get3A_58] : memref<16x512x128xf32, #tpu.memory_space<vmem>>, vector<1x512x128xf32>
      %get3A_60 = vector.shape_cast %get3A_59 : vector<1x512x128xf32> to vector<512x128xf32>
      %mul3A_61 = arith.mulf %get3A_60, %get3A_13 : vector<512x128xf32>
      %reduce_sum3A_62 = arith.constant dense<0.000000e+00> : vector<512xf32>
      %reduce_sum3A_63 = vector.multi_reduction <add>, %mul3A_61, %reduce_sum3A_62 [1] : vector<512x128xf32> to vector<512xf32>
      %broadcast_in_dim3A_64 = vector.shape_cast %reduce_sum3A_63 : vector<512xf32> to vector<512x1xf32>
      %get3A_65 = arith.constant 6 : index
      %get3A_66 = arith.constant 0 : index
      %get3A_67 = arith.constant 0 : index
      %get3A_68 = vector.load %arg2[%get3A_65, %get3A_66, %get3A_67] : memref<16x512x128xf32, #tpu.memory_space<vmem>>, vector<1x512x128xf32>
      %get3A_69 = vector.shape_cast %get3A_68 : vector<1x512x128xf32> to vector<512x128xf32>
      %mul3A_70 = arith.mulf %get3A_69, %get3A_13 : vector<512x128xf32>
      %reduce_sum3A_71 = arith.constant dense<0.000000e+00> : vector<512xf32>
      %reduce_sum3A_72 = vector.multi_reduction <add>, %mul3A_70, %reduce_sum3A_71 [1] : vector<512x128xf32> to vector<512xf32>
      %broadcast_in_dim3A_73 = vector.shape_cast %reduce_sum3A_72 : vector<512xf32> to vector<512x1xf32>
      %get3A_74 = arith.constant 7 : index
      %get3A_75 = arith.constant 0 : index
      %get3A_76 = arith.constant 0 : index
      %get3A_77 = vector.load %arg2[%get3A_74, %get3A_75, %get3A_76] : memref<16x512x128xf32, #tpu.memory_space<vmem>>, vector<1x512x128xf32>
      %get3A_78 = vector.shape_cast %get3A_77 : vector<1x512x128xf32> to vector<512x128xf32>
      %mul3A_79 = arith.mulf %get3A_78, %get3A_13 : vector<512x128xf32>
      %reduce_sum3A_80 = arith.constant dense<0.000000e+00> : vector<512xf32>
      %reduce_sum3A_81 = vector.multi_reduction <add>, %mul3A_79, %reduce_sum3A_80 [1] : vector<512x128xf32> to vector<512xf32>
      %broadcast_in_dim3A_82 = vector.shape_cast %reduce_sum3A_81 : vector<512xf32> to vector<512x1xf32>
      %get3A_83 = arith.constant 8 : index
      %get3A_84 = arith.constant 0 : index
      %get3A_85 = arith.constant 0 : index
      %get3A_86 = vector.load %arg2[%get3A_83, %get3A_84, %get3A_85] : memref<16x512x128xf32, #tpu.memory_space<vmem>>, vector<1x512x128xf32>
      %get3A_87 = vector.shape_cast %get3A_86 : vector<1x512x128xf32> to vector<512x128xf32>
      %mul3A_88 = arith.mulf %get3A_87, %get3A_13 : vector<512x128xf32>
      %reduce_sum3A_89 = arith.constant dense<0.000000e+00> : vector<512xf32>
      %reduce_sum3A_90 = vector.multi_reduction <add>, %mul3A_88, %reduce_sum3A_89 [1] : vector<512x128xf32> to vector<512xf32>
      %broadcast_in_dim3A_91 = vector.shape_cast %reduce_sum3A_90 : vector<512xf32> to vector<512x1xf32>
      %get3A_92 = arith.constant 9 : index
      %get3A_93 = arith.constant 0 : index
      %get3A_94 = arith.constant 0 : index
      %get3A_95 = vector.load %arg2[%get3A_92, %get3A_93, %get3A_94] : memref<16x512x128xf32, #tpu.memory_space<vmem>>, vector<1x512x128xf32>
      %get3A_96 = vector.shape_cast %get3A_95 : vector<1x512x128xf32> to vector<512x128xf32>
      %mul3A_97 = arith.mulf %get3A_96, %get3A_13 : vector<512x128xf32>
      %reduce_sum3A_98 = arith.constant dense<0.000000e+00> : vector<512xf32>
      %reduce_sum3A_99 = vector.multi_reduction <add>, %mul3A_97, %reduce_sum3A_98 [1] : vector<512x128xf32> to vector<512xf32>
      %broadcast_in_dim3A_100 = vector.shape_cast %reduce_sum3A_99 : vector<512xf32> to vector<512x1xf32>
      %get3A_101 = arith.constant 10 : index
      %get3A_102 = arith.constant 0 : index
      %get3A_103 = arith.constant 0 : index
      %get3A_104 = vector.load %arg2[%get3A_101, %get3A_102, %get3A_103] : memref<16x512x128xf32, #tpu.memory_space<vmem>>, vector<1x512x128xf32>
      %get3A_105 = vector.shape_cast %get3A_104 : vector<1x512x128xf32> to vector<512x128xf32>
      %mul3A_106 = arith.mulf %get3A_105, %get3A_13 : vector<512x128xf32>
      %reduce_sum3A_107 = arith.constant dense<0.000000e+00> : vector<512xf32>
      %reduce_sum3A_108 = vector.multi_reduction <add>, %mul3A_106, %reduce_sum3A_107 [1] : vector<512x128xf32> to vector<512xf32>
      %broadcast_in_dim3A_109 = vector.shape_cast %reduce_sum3A_108 : vector<512xf32> to vector<512x1xf32>
      %get3A_110 = arith.constant 11 : index
      %get3A_111 = arith.constant 0 : index
      %get3A_112 = arith.constant 0 : index
      %get3A_113 = vector.load %arg2[%get3A_110, %get3A_111, %get3A_112] : memref<16x512x128xf32, #tpu.memory_space<vmem>>, vector<1x512x128xf32>
      %get3A_114 = vector.shape_cast %get3A_113 : vector<1x512x128xf32> to vector<512x128xf32>
      %mul3A_115 = arith.mulf %get3A_114, %get3A_13 : vector<512x128xf32>
      %reduce_sum3A_116 = arith.constant dense<0.000000e+00> : vector<512xf32>
      %reduce_sum3A_117 = vector.multi_reduction <add>, %mul3A_115, %reduce_sum3A_116 [1] : vector<512x128xf32> to vector<512xf32>
      %broadcast_in_dim3A_118 = vector.shape_cast %reduce_sum3A_117 : vector<512xf32> to vector<512x1xf32>
      %get3A_119 = arith.constant 12 : index
      %get3A_120 = arith.constant 0 : index
      %get3A_121 = arith.constant 0 : index
      %get3A_122 = vector.load %arg2[%get3A_119, %get3A_120, %get3A_121] : memref<16x512x128xf32, #tpu.memory_space<vmem>>, vector<1x512x128xf32>
      %get3A_123 = vector.shape_cast %get3A_122 : vector<1x512x128xf32> to vector<512x128xf32>
      %mul3A_124 = arith.mulf %get3A_123, %get3A_13 : vector<512x128xf32>
      %reduce_sum3A_125 = arith.constant dense<0.000000e+00> : vector<512xf32>
      %reduce_sum3A_126 = vector.multi_reduction <add>, %mul3A_124, %reduce_sum3A_125 [1] : vector<512x128xf32> to vector<512xf32>
      %broadcast_in_dim3A_127 = vector.shape_cast %reduce_sum3A_126 : vector<512xf32> to vector<512x1xf32>
      %get3A_128 = arith.constant 13 : index
      %get3A_129 = arith.constant 0 : index
      %get3A_130 = arith.constant 0 : index
      %get3A_131 = vector.load %arg2[%get3A_128, %get3A_129, %get3A_130] : memref<16x512x128xf32, #tpu.memory_space<vmem>>, vector<1x512x128xf32>
      %get3A_132 = vector.shape_cast %get3A_131 : vector<1x512x128xf32> to vector<512x128xf32>
      %mul3A_133 = arith.mulf %get3A_132, %get3A_13 : vector<512x128xf32>
      %reduce_sum3A_134 = arith.constant dense<0.000000e+00> : vector<512xf32>
      %reduce_sum3A_135 = vector.multi_reduction <add>, %mul3A_133, %reduce_sum3A_134 [1] : vector<512x128xf32> to vector<512xf32>
      %broadcast_in_dim3A_136 = vector.shape_cast %reduce_sum3A_135 : vector<512xf32> to vector<512x1xf32>
      %get3A_137 = arith.constant 14 : index
      %get3A_138 = arith.constant 0 : index
      %get3A_139 = arith.constant 0 : index
      %get3A_140 = vector.load %arg2[%get3A_137, %get3A_138, %get3A_139] : memref<16x512x128xf32, #tpu.memory_space<vmem>>, vector<1x512x128xf32>
      %get3A_141 = vector.shape_cast %get3A_140 : vector<1x512x128xf32> to vector<512x128xf32>
      %mul3A_142 = arith.mulf %get3A_141, %get3A_13 : vector<512x128xf32>
      %reduce_sum3A_143 = arith.constant dense<0.000000e+00> : vector<512xf32>
      %reduce_sum3A_144 = vector.multi_reduction <add>, %mul3A_142, %reduce_sum3A_143 [1] : vector<512x128xf32> to vector<512xf32>
      %broadcast_in_dim3A_145 = vector.shape_cast %reduce_sum3A_144 : vector<512xf32> to vector<512x1xf32>
      %get3A_146 = arith.constant 15 : index
      %get3A_147 = arith.constant 0 : index
      %get3A_148 = arith.constant 0 : index
      %get3A_149 = vector.load %arg2[%get3A_146, %get3A_147, %get3A_148] : memref<16x512x128xf32, #tpu.memory_space<vmem>>, vector<1x512x128xf32>
      %get3A_150 = vector.shape_cast %get3A_149 : vector<1x512x128xf32> to vector<512x128xf32>
      %mul3A_151 = arith.mulf %get3A_150, %get3A_13 : vector<512x128xf32>
      %reduce_sum3A_152 = arith.constant dense<0.000000e+00> : vector<512xf32>
      %reduce_sum3A_153 = vector.multi_reduction <add>, %mul3A_151, %reduce_sum3A_152 [1] : vector<512x128xf32> to vector<512xf32>
      %broadcast_in_dim3A_154 = vector.shape_cast %reduce_sum3A_153 : vector<512xf32> to vector<512x1xf32>
      %concatenate3A = tpu.concatenate %broadcast_in_dim3A, %broadcast_in_dim3A_28, %broadcast_in_dim3A_37, %broadcast_in_dim3A_46, %broadcast_in_dim3A_55, %broadcast_in_dim3A_64, %broadcast_in_dim3A_73, %broadcast_in_dim3A_82, %broadcast_in_dim3A_91, %broadcast_in_dim3A_100, %broadcast_in_dim3A_109, %broadcast_in_dim3A_118, %broadcast_in_dim3A_127, %broadcast_in_dim3A_136, %broadcast_in_dim3A_145, %broadcast_in_dim3A_154 in 1 : vector<512x1xf32>, vector<512x1xf32>, vector<512x1xf32>, vector<512x1xf32>, vector<512x1xf32>, vector<512x1xf32>, vector<512x1xf32>, vector<512x1xf32>, vector<512x1xf32>, vector<512x1xf32>, vector<512x1xf32>, vector<512x1xf32>, vector<512x1xf32>, vector<512x1xf32>, vector<512x1xf32>, vector<512x1xf32> -> vector<512x16xf32>
      %mul3A_155 = arith.constant 5.000000e+00 : f32
      %mul3A_156 = vector.broadcast %mul3A_155 : f32 to vector<512x16xf32>
      %mul3A_157 = arith.mulf %concatenate3A, %mul3A_156 : vector<512x16xf32>
      %get3A_158 = arith.constant 0 : index
      %get3A_159 = arith.constant 0 : index
      %get3A_160 = vector.load %arg3[%get3A_158, %get3A_159] : memref<512x16xi32, #tpu.memory_space<vmem>>, vector<512x16xi32>
      %eq3A = arith.constant 1 : i32
      %eq3A_161 = vector.broadcast %eq3A : i32 to vector<512x16xi32>
      %eq3A_162 = arith.cmpi eq, %get3A_160, %eq3A_161 : vector<512x16xi32>
      %jit3A = arith.constant -1.000000e+06 : f32
      %broadcast_in_dim3A_163 = vector.broadcast %jit3A : f32 to vector<512x16xf32>
      %select_n3A = arith.select %eq3A_162, %mul3A_157, %broadcast_in_dim3A_163 : vector<512x16xi1>, vector<512x16xf32>
      %reduce_max3A = arith.constant dense<0xFF800000> : vector<512xf32>
      %reduce_max3A_164 = vector.multi_reduction <maximumf>, %select_n3A, %reduce_max3A [1] : vector<512x16xf32> to vector<512xf32>
      %broadcast_in_dim3A_165 = vector.shape_cast %reduce_max3A_164 : vector<512xf32> to vector<512x1xf32>
      %sub3A = vector.broadcast %broadcast_in_dim3A_165 : vector<512x1xf32> to vector<512x16xf32>
      %sub3A_166 = arith.subf %select_n3A, %sub3A : vector<512x16xf32>
      %exp3A = math.exp %sub3A_166 : vector<512x16xf32>
      %reduce_sum3A_167 = arith.constant dense<0.000000e+00> : vector<512xf32>
      %reduce_sum3A_168 = vector.multi_reduction <add>, %exp3A, %reduce_sum3A_167 [1] : vector<512x16xf32> to vector<512xf32>
      %broadcast_in_dim3A_169 = vector.shape_cast %reduce_sum3A_168 : vector<512xf32> to vector<512x1xf32>
      %div3A = vector.broadcast %broadcast_in_dim3A_169 : vector<512x1xf32> to vector<512x16xf32>
      %div3A_170 = arith.divf %exp3A, %div3A : vector<512x16xf32>
      %broadcast_in_dim3A_171 = arith.constant 0.000000e+00 : f32
      %broadcast_in_dim3A_172 = vector.broadcast %broadcast_in_dim3A_171 : f32 to vector<512x128xf32>
      %get3A_173 = arith.constant 0 : index
      %get3A_174 = arith.constant 0 : index
      %get3A_175 = arith.constant 0 : index
      %get3A_176 = vector.load %arg2[%get3A_173, %get3A_174, %get3A_175] : memref<16x512x128xf32, #tpu.memory_space<vmem>>, vector<1x512x128xf32>
      %get3A_177 = vector.shape_cast %get3A_176 : vector<1x512x128xf32> to vector<512x128xf32>
      %dot_general3A = arith.constant dense<0.000000e+00> : vector<512x128xf32>
      %dot_general3A_178 = tpu.matmul %get3A_177, %get3A_1, %dot_general3A {dimension_numbers = #tpu.dot_dimension_numbers<[1], [0], [0], [1], [0, 0, 1, 1], [], []>, transpose_lhs_hint = false} : vector<512x128xf32>, vector<128x128xf32>, vector<512x128xf32> -> vector<512x128xf32>
      %add3A = vector.broadcast %get3A_4 : vector<1x128xf32> to vector<512x128xf32>
      %add3A_179 = arith.addf %dot_general3A_178, %add3A : vector<512x128xf32>
      %ge3A_180 = arith.constant 0.000000e+00 : f32
      %ge3A_181 = vector.broadcast %ge3A_180 : f32 to vector<512x128xf32>
      %ge3A_182 = arith.cmpf oge, %add3A_179, %ge3A_181 : vector<512x128xf32>
      %mul3A_183 = arith.constant 2.000000e-01 : f32
      %mul3A_184 = vector.broadcast %mul3A_183 : f32 to vector<512x128xf32>
      %mul3A_185 = arith.mulf %mul3A_184, %add3A_179 : vector<512x128xf32>
      %select_n3A_186 = arith.select %ge3A_182, %add3A_179, %mul3A_185 : vector<512x128xi1>, vector<512x128xf32>
      %slice3A = vector.extract_strided_slice %div3A_170 {offsets = [0, 0], sizes = [512, 1], strides = [1, 1]} : vector<512x16xf32> to vector<512x1xf32>
      %mul3A_187 = vector.broadcast %slice3A : vector<512x1xf32> to vector<512x128xf32>
      %mul3A_188 = arith.mulf %mul3A_187, %select_n3A_186 : vector<512x128xf32>
      %add3A_189 = arith.addf %broadcast_in_dim3A_172, %mul3A_188 : vector<512x128xf32>
      %get3A_190 = arith.constant 1 : index
      %get3A_191 = arith.constant 0 : index
      %get3A_192 = arith.constant 0 : index
      %get3A_193 = vector.load %arg2[%get3A_190, %get3A_191, %get3A_192] : memref<16x512x128xf32, #tpu.memory_space<vmem>>, vector<1x512x128xf32>
      %get3A_194 = vector.shape_cast %get3A_193 : vector<1x512x128xf32> to vector<512x128xf32>
      %dot_general3A_195 = arith.constant dense<0.000000e+00> : vector<512x128xf32>
      %dot_general3A_196 = tpu.matmul %get3A_194, %get3A_1, %dot_general3A_195 {dimension_numbers = #tpu.dot_dimension_numbers<[1], [0], [0], [1], [0, 0, 1, 1], [], []>, transpose_lhs_hint = false} : vector<512x128xf32>, vector<128x128xf32>, vector<512x128xf32> -> vector<512x128xf32>
      %add3A_197 = vector.broadcast %get3A_4 : vector<1x128xf32> to vector<512x128xf32>
      %add3A_198 = arith.addf %dot_general3A_196, %add3A_197 : vector<512x128xf32>
      %ge3A_199 = arith.constant 0.000000e+00 : f32
      %ge3A_200 = vector.broadcast %ge3A_199 : f32 to vector<512x128xf32>
      %ge3A_201 = arith.cmpf oge, %add3A_198, %ge3A_200 : vector<512x128xf32>
      %mul3A_202 = arith.constant 2.000000e-01 : f32
      %mul3A_203 = vector.broadcast %mul3A_202 : f32 to vector<512x128xf32>
      %mul3A_204 = arith.mulf %mul3A_203, %add3A_198 : vector<512x128xf32>
      %select_n3A_205 = arith.select %ge3A_201, %add3A_198, %mul3A_204 : vector<512x128xi1>, vector<512x128xf32>
      %slice3A_206 = vector.extract_strided_slice %div3A_170 {offsets = [0, 1], sizes = [512, 1], strides = [1, 1]} : vector<512x16xf32> to vector<512x1xf32>
      %mul3A_207 = vector.broadcast %slice3A_206 : vector<512x1xf32> to vector<512x128xf32>
      %mul3A_208 = arith.mulf %mul3A_207, %select_n3A_205 : vector<512x128xf32>
      %add3A_209 = arith.addf %add3A_189, %mul3A_208 : vector<512x128xf32>
      %get3A_210 = arith.constant 2 : index
      %get3A_211 = arith.constant 0 : index
      %get3A_212 = arith.constant 0 : index
      %get3A_213 = vector.load %arg2[%get3A_210, %get3A_211, %get3A_212] : memref<16x512x128xf32, #tpu.memory_space<vmem>>, vector<1x512x128xf32>
      %get3A_214 = vector.shape_cast %get3A_213 : vector<1x512x128xf32> to vector<512x128xf32>
      %dot_general3A_215 = arith.constant dense<0.000000e+00> : vector<512x128xf32>
      %dot_general3A_216 = tpu.matmul %get3A_214, %get3A_1, %dot_general3A_215 {dimension_numbers = #tpu.dot_dimension_numbers<[1], [0], [0], [1], [0, 0, 1, 1], [], []>, transpose_lhs_hint = false} : vector<512x128xf32>, vector<128x128xf32>, vector<512x128xf32> -> vector<512x128xf32>
      %add3A_217 = vector.broadcast %get3A_4 : vector<1x128xf32> to vector<512x128xf32>
      %add3A_218 = arith.addf %dot_general3A_216, %add3A_217 : vector<512x128xf32>
      %ge3A_219 = arith.constant 0.000000e+00 : f32
      %ge3A_220 = vector.broadcast %ge3A_219 : f32 to vector<512x128xf32>
      %ge3A_221 = arith.cmpf oge, %add3A_218, %ge3A_220 : vector<512x128xf32>
      %mul3A_222 = arith.constant 2.000000e-01 : f32
      %mul3A_223 = vector.broadcast %mul3A_222 : f32 to vector<512x128xf32>
      %mul3A_224 = arith.mulf %mul3A_223, %add3A_218 : vector<512x128xf32>
      %select_n3A_225 = arith.select %ge3A_221, %add3A_218, %mul3A_224 : vector<512x128xi1>, vector<512x128xf32>
      %slice3A_226 = vector.extract_strided_slice %div3A_170 {offsets = [0, 2], sizes = [512, 1], strides = [1, 1]} : vector<512x16xf32> to vector<512x1xf32>
      %mul3A_227 = vector.broadcast %slice3A_226 : vector<512x1xf32> to vector<512x128xf32>
      %mul3A_228 = arith.mulf %mul3A_227, %select_n3A_225 : vector<512x128xf32>
      %add3A_229 = arith.addf %add3A_209, %mul3A_228 : vector<512x128xf32>
      %get3A_230 = arith.constant 3 : index
      %get3A_231 = arith.constant 0 : index
      %get3A_232 = arith.constant 0 : index
      %get3A_233 = vector.load %arg2[%get3A_230, %get3A_231, %get3A_232] : memref<16x512x128xf32, #tpu.memory_space<vmem>>, vector<1x512x128xf32>
      %get3A_234 = vector.shape_cast %get3A_233 : vector<1x512x128xf32> to vector<512x128xf32>
      %dot_general3A_235 = arith.constant dense<0.000000e+00> : vector<512x128xf32>
      %dot_general3A_236 = tpu.matmul %get3A_234, %get3A_1, %dot_general3A_235 {dimension_numbers = #tpu.dot_dimension_numbers<[1], [0], [0], [1], [0, 0, 1, 1], [], []>, transpose_lhs_hint = false} : vector<512x128xf32>, vector<128x128xf32>, vector<512x128xf32> -> vector<512x128xf32>
      %add3A_237 = vector.broadcast %get3A_4 : vector<1x128xf32> to vector<512x128xf32>
      %add3A_238 = arith.addf %dot_general3A_236, %add3A_237 : vector<512x128xf32>
      %ge3A_239 = arith.constant 0.000000e+00 : f32
      %ge3A_240 = vector.broadcast %ge3A_239 : f32 to vector<512x128xf32>
      %ge3A_241 = arith.cmpf oge, %add3A_238, %ge3A_240 : vector<512x128xf32>
      %mul3A_242 = arith.constant 2.000000e-01 : f32
      %mul3A_243 = vector.broadcast %mul3A_242 : f32 to vector<512x128xf32>
      %mul3A_244 = arith.mulf %mul3A_243, %add3A_238 : vector<512x128xf32>
      %select_n3A_245 = arith.select %ge3A_241, %add3A_238, %mul3A_244 : vector<512x128xi1>, vector<512x128xf32>
      %slice3A_246 = vector.extract_strided_slice %div3A_170 {offsets = [0, 3], sizes = [512, 1], strides = [1, 1]} : vector<512x16xf32> to vector<512x1xf32>
      %mul3A_247 = vector.broadcast %slice3A_246 : vector<512x1xf32> to vector<512x128xf32>
      %mul3A_248 = arith.mulf %mul3A_247, %select_n3A_245 : vector<512x128xf32>
      %add3A_249 = arith.addf %add3A_229, %mul3A_248 : vector<512x128xf32>
      %get3A_250 = arith.constant 4 : index
      %get3A_251 = arith.constant 0 : index
      %get3A_252 = arith.constant 0 : index
      %get3A_253 = vector.load %arg2[%get3A_250, %get3A_251, %get3A_252] : memref<16x512x128xf32, #tpu.memory_space<vmem>>, vector<1x512x128xf32>
      %get3A_254 = vector.shape_cast %get3A_253 : vector<1x512x128xf32> to vector<512x128xf32>
      %dot_general3A_255 = arith.constant dense<0.000000e+00> : vector<512x128xf32>
      %dot_general3A_256 = tpu.matmul %get3A_254, %get3A_1, %dot_general3A_255 {dimension_numbers = #tpu.dot_dimension_numbers<[1], [0], [0], [1], [0, 0, 1, 1], [], []>, transpose_lhs_hint = false} : vector<512x128xf32>, vector<128x128xf32>, vector<512x128xf32> -> vector<512x128xf32>
      %add3A_257 = vector.broadcast %get3A_4 : vector<1x128xf32> to vector<512x128xf32>
      %add3A_258 = arith.addf %dot_general3A_256, %add3A_257 : vector<512x128xf32>
      %ge3A_259 = arith.constant 0.000000e+00 : f32
      %ge3A_260 = vector.broadcast %ge3A_259 : f32 to vector<512x128xf32>
      %ge3A_261 = arith.cmpf oge, %add3A_258, %ge3A_260 : vector<512x128xf32>
      %mul3A_262 = arith.constant 2.000000e-01 : f32
      %mul3A_263 = vector.broadcast %mul3A_262 : f32 to vector<512x128xf32>
      %mul3A_264 = arith.mulf %mul3A_263, %add3A_258 : vector<512x128xf32>
      %select_n3A_265 = arith.select %ge3A_261, %add3A_258, %mul3A_264 : vector<512x128xi1>, vector<512x128xf32>
      %slice3A_266 = vector.extract_strided_slice %div3A_170 {offsets = [0, 4], sizes = [512, 1], strides = [1, 1]} : vector<512x16xf32> to vector<512x1xf32>
      %mul3A_267 = vector.broadcast %slice3A_266 : vector<512x1xf32> to vector<512x128xf32>
      %mul3A_268 = arith.mulf %mul3A_267, %select_n3A_265 : vector<512x128xf32>
      %add3A_269 = arith.addf %add3A_249, %mul3A_268 : vector<512x128xf32>
      %get3A_270 = arith.constant 5 : index
      %get3A_271 = arith.constant 0 : index
      %get3A_272 = arith.constant 0 : index
      %get3A_273 = vector.load %arg2[%get3A_270, %get3A_271, %get3A_272] : memref<16x512x128xf32, #tpu.memory_space<vmem>>, vector<1x512x128xf32>
      %get3A_274 = vector.shape_cast %get3A_273 : vector<1x512x128xf32> to vector<512x128xf32>
      %dot_general3A_275 = arith.constant dense<0.000000e+00> : vector<512x128xf32>
      %dot_general3A_276 = tpu.matmul %get3A_274, %get3A_1, %dot_general3A_275 {dimension_numbers = #tpu.dot_dimension_numbers<[1], [0], [0], [1], [0, 0, 1, 1], [], []>, transpose_lhs_hint = false} : vector<512x128xf32>, vector<128x128xf32>, vector<512x128xf32> -> vector<512x128xf32>
      %add3A_277 = vector.broadcast %get3A_4 : vector<1x128xf32> to vector<512x128xf32>
      %add3A_278 = arith.addf %dot_general3A_276, %add3A_277 : vector<512x128xf32>
      %ge3A_279 = arith.constant 0.000000e+00 : f32
      %ge3A_280 = vector.broadcast %ge3A_279 : f32 to vector<512x128xf32>
      %ge3A_281 = arith.cmpf oge, %add3A_278, %ge3A_280 : vector<512x128xf32>
      %mul3A_282 = arith.constant 2.000000e-01 : f32
      %mul3A_283 = vector.broadcast %mul3A_282 : f32 to vector<512x128xf32>
      %mul3A_284 = arith.mulf %mul3A_283, %add3A_278 : vector<512x128xf32>
      %select_n3A_285 = arith.select %ge3A_281, %add3A_278, %mul3A_284 : vector<512x128xi1>, vector<512x128xf32>
      %slice3A_286 = vector.extract_strided_slice %div3A_170 {offsets = [0, 5], sizes = [512, 1], strides = [1, 1]} : vector<512x16xf32> to vector<512x1xf32>
      %mul3A_287 = vector.broadcast %slice3A_286 : vector<512x1xf32> to vector<512x128xf32>
      %mul3A_288 = arith.mulf %mul3A_287, %select_n3A_285 : vector<512x128xf32>
      %add3A_289 = arith.addf %add3A_269, %mul3A_288 : vector<512x128xf32>
      %get3A_290 = arith.constant 6 : index
      %get3A_291 = arith.constant 0 : index
      %get3A_292 = arith.constant 0 : index
      %get3A_293 = vector.load %arg2[%get3A_290, %get3A_291, %get3A_292] : memref<16x512x128xf32, #tpu.memory_space<vmem>>, vector<1x512x128xf32>
      %get3A_294 = vector.shape_cast %get3A_293 : vector<1x512x128xf32> to vector<512x128xf32>
      %dot_general3A_295 = arith.constant dense<0.000000e+00> : vector<512x128xf32>
      %dot_general3A_296 = tpu.matmul %get3A_294, %get3A_1, %dot_general3A_295 {dimension_numbers = #tpu.dot_dimension_numbers<[1], [0], [0], [1], [0, 0, 1, 1], [], []>, transpose_lhs_hint = false} : vector<512x128xf32>, vector<128x128xf32>, vector<512x128xf32> -> vector<512x128xf32>
      %add3A_297 = vector.broadcast %get3A_4 : vector<1x128xf32> to vector<512x128xf32>
      %add3A_298 = arith.addf %dot_general3A_296, %add3A_297 : vector<512x128xf32>
      %ge3A_299 = arith.constant 0.000000e+00 : f32
      %ge3A_300 = vector.broadcast %ge3A_299 : f32 to vector<512x128xf32>
      %ge3A_301 = arith.cmpf oge, %add3A_298, %ge3A_300 : vector<512x128xf32>
      %mul3A_302 = arith.constant 2.000000e-01 : f32
      %mul3A_303 = vector.broadcast %mul3A_302 : f32 to vector<512x128xf32>
      %mul3A_304 = arith.mulf %mul3A_303, %add3A_298 : vector<512x128xf32>
      %select_n3A_305 = arith.select %ge3A_301, %add3A_298, %mul3A_304 : vector<512x128xi1>, vector<512x128xf32>
      %slice3A_306 = vector.extract_strided_slice %div3A_170 {offsets = [0, 6], sizes = [512, 1], strides = [1, 1]} : vector<512x16xf32> to vector<512x1xf32>
      %mul3A_307 = vector.broadcast %slice3A_306 : vector<512x1xf32> to vector<512x128xf32>
      %mul3A_308 = arith.mulf %mul3A_307, %select_n3A_305 : vector<512x128xf32>
      %add3A_309 = arith.addf %add3A_289, %mul3A_308 : vector<512x128xf32>
      %get3A_310 = arith.constant 7 : index
      %get3A_311 = arith.constant 0 : index
      %get3A_312 = arith.constant 0 : index
      %get3A_313 = vector.load %arg2[%get3A_310, %get3A_311, %get3A_312] : memref<16x512x128xf32, #tpu.memory_space<vmem>>, vector<1x512x128xf32>
      %get3A_314 = vector.shape_cast %get3A_313 : vector<1x512x128xf32> to vector<512x128xf32>
      %dot_general3A_315 = arith.constant dense<0.000000e+00> : vector<512x128xf32>
      %dot_general3A_316 = tpu.matmul %get3A_314, %get3A_1, %dot_general3A_315 {dimension_numbers = #tpu.dot_dimension_numbers<[1], [0], [0], [1], [0, 0, 1, 1], [], []>, transpose_lhs_hint = false} : vector<512x128xf32>, vector<128x128xf32>, vector<512x128xf32> -> vector<512x128xf32>
      %add3A_317 = vector.broadcast %get3A_4 : vector<1x128xf32> to vector<512x128xf32>
      %add3A_318 = arith.addf %dot_general3A_316, %add3A_317 : vector<512x128xf32>
      %ge3A_319 = arith.constant 0.000000e+00 : f32
      %ge3A_320 = vector.broadcast %ge3A_319 : f32 to vector<512x128xf32>
      %ge3A_321 = arith.cmpf oge, %add3A_318, %ge3A_320 : vector<512x128xf32>
      %mul3A_322 = arith.constant 2.000000e-01 : f32
      %mul3A_323 = vector.broadcast %mul3A_322 : f32 to vector<512x128xf32>
      %mul3A_324 = arith.mulf %mul3A_323, %add3A_318 : vector<512x128xf32>
      %select_n3A_325 = arith.select %ge3A_321, %add3A_318, %mul3A_324 : vector<512x128xi1>, vector<512x128xf32>
      %slice3A_326 = vector.extract_strided_slice %div3A_170 {offsets = [0, 7], sizes = [512, 1], strides = [1, 1]} : vector<512x16xf32> to vector<512x1xf32>
      %mul3A_327 = vector.broadcast %slice3A_326 : vector<512x1xf32> to vector<512x128xf32>
      %mul3A_328 = arith.mulf %mul3A_327, %select_n3A_325 : vector<512x128xf32>
      %add3A_329 = arith.addf %add3A_309, %mul3A_328 : vector<512x128xf32>
      %get3A_330 = arith.constant 8 : index
      %get3A_331 = arith.constant 0 : index
      %get3A_332 = arith.constant 0 : index
      %get3A_333 = vector.load %arg2[%get3A_330, %get3A_331, %get3A_332] : memref<16x512x128xf32, #tpu.memory_space<vmem>>, vector<1x512x128xf32>
      %get3A_334 = vector.shape_cast %get3A_333 : vector<1x512x128xf32> to vector<512x128xf32>
      %dot_general3A_335 = arith.constant dense<0.000000e+00> : vector<512x128xf32>
      %dot_general3A_336 = tpu.matmul %get3A_334, %get3A_1, %dot_general3A_335 {dimension_numbers = #tpu.dot_dimension_numbers<[1], [0], [0], [1], [0, 0, 1, 1], [], []>, transpose_lhs_hint = false} : vector<512x128xf32>, vector<128x128xf32>, vector<512x128xf32> -> vector<512x128xf32>
      %add3A_337 = vector.broadcast %get3A_4 : vector<1x128xf32> to vector<512x128xf32>
      %add3A_338 = arith.addf %dot_general3A_336, %add3A_337 : vector<512x128xf32>
      %ge3A_339 = arith.constant 0.000000e+00 : f32
      %ge3A_340 = vector.broadcast %ge3A_339 : f32 to vector<512x128xf32>
      %ge3A_341 = arith.cmpf oge, %add3A_338, %ge3A_340 : vector<512x128xf32>
      %mul3A_342 = arith.constant 2.000000e-01 : f32
      %mul3A_343 = vector.broadcast %mul3A_342 : f32 to vector<512x128xf32>
      %mul3A_344 = arith.mulf %mul3A_343, %add3A_338 : vector<512x128xf32>
      %select_n3A_345 = arith.select %ge3A_341, %add3A_338, %mul3A_344 : vector<512x128xi1>, vector<512x128xf32>
      %slice3A_346 = vector.extract_strided_slice %div3A_170 {offsets = [0, 8], sizes = [512, 1], strides = [1, 1]} : vector<512x16xf32> to vector<512x1xf32>
      %mul3A_347 = vector.broadcast %slice3A_346 : vector<512x1xf32> to vector<512x128xf32>
      %mul3A_348 = arith.mulf %mul3A_347, %select_n3A_345 : vector<512x128xf32>
      %add3A_349 = arith.addf %add3A_329, %mul3A_348 : vector<512x128xf32>
      %get3A_350 = arith.constant 9 : index
      %get3A_351 = arith.constant 0 : index
      %get3A_352 = arith.constant 0 : index
      %get3A_353 = vector.load %arg2[%get3A_350, %get3A_351, %get3A_352] : memref<16x512x128xf32, #tpu.memory_space<vmem>>, vector<1x512x128xf32>
      %get3A_354 = vector.shape_cast %get3A_353 : vector<1x512x128xf32> to vector<512x128xf32>
      %dot_general3A_355 = arith.constant dense<0.000000e+00> : vector<512x128xf32>
      %dot_general3A_356 = tpu.matmul %get3A_354, %get3A_1, %dot_general3A_355 {dimension_numbers = #tpu.dot_dimension_numbers<[1], [0], [0], [1], [0, 0, 1, 1], [], []>, transpose_lhs_hint = false} : vector<512x128xf32>, vector<128x128xf32>, vector<512x128xf32> -> vector<512x128xf32>
      %add3A_357 = vector.broadcast %get3A_4 : vector<1x128xf32> to vector<512x128xf32>
      %add3A_358 = arith.addf %dot_general3A_356, %add3A_357 : vector<512x128xf32>
      %ge3A_359 = arith.constant 0.000000e+00 : f32
      %ge3A_360 = vector.broadcast %ge3A_359 : f32 to vector<512x128xf32>
      %ge3A_361 = arith.cmpf oge, %add3A_358, %ge3A_360 : vector<512x128xf32>
      %mul3A_362 = arith.constant 2.000000e-01 : f32
      %mul3A_363 = vector.broadcast %mul3A_362 : f32 to vector<512x128xf32>
      %mul3A_364 = arith.mulf %mul3A_363, %add3A_358 : vector<512x128xf32>
      %select_n3A_365 = arith.select %ge3A_361, %add3A_358, %mul3A_364 : vector<512x128xi1>, vector<512x128xf32>
      %slice3A_366 = vector.extract_strided_slice %div3A_170 {offsets = [0, 9], sizes = [512, 1], strides = [1, 1]} : vector<512x16xf32> to vector<512x1xf32>
      %mul3A_367 = vector.broadcast %slice3A_366 : vector<512x1xf32> to vector<512x128xf32>
      %mul3A_368 = arith.mulf %mul3A_367, %select_n3A_365 : vector<512x128xf32>
      %add3A_369 = arith.addf %add3A_349, %mul3A_368 : vector<512x128xf32>
      %get3A_370 = arith.constant 10 : index
      %get3A_371 = arith.constant 0 : index
      %get3A_372 = arith.constant 0 : index
      %get3A_373 = vector.load %arg2[%get3A_370, %get3A_371, %get3A_372] : memref<16x512x128xf32, #tpu.memory_space<vmem>>, vector<1x512x128xf32>
      %get3A_374 = vector.shape_cast %get3A_373 : vector<1x512x128xf32> to vector<512x128xf32>
      %dot_general3A_375 = arith.constant dense<0.000000e+00> : vector<512x128xf32>
      %dot_general3A_376 = tpu.matmul %get3A_374, %get3A_1, %dot_general3A_375 {dimension_numbers = #tpu.dot_dimension_numbers<[1], [0], [0], [1], [0, 0, 1, 1], [], []>, transpose_lhs_hint = false} : vector<512x128xf32>, vector<128x128xf32>, vector<512x128xf32> -> vector<512x128xf32>
      %add3A_377 = vector.broadcast %get3A_4 : vector<1x128xf32> to vector<512x128xf32>
      %add3A_378 = arith.addf %dot_general3A_376, %add3A_377 : vector<512x128xf32>
      %ge3A_379 = arith.constant 0.000000e+00 : f32
      %ge3A_380 = vector.broadcast %ge3A_379 : f32 to vector<512x128xf32>
      %ge3A_381 = arith.cmpf oge, %add3A_378, %ge3A_380 : vector<512x128xf32>
      %mul3A_382 = arith.constant 2.000000e-01 : f32
      %mul3A_383 = vector.broadcast %mul3A_382 : f32 to vector<512x128xf32>
      %mul3A_384 = arith.mulf %mul3A_383, %add3A_378 : vector<512x128xf32>
      %select_n3A_385 = arith.select %ge3A_381, %add3A_378, %mul3A_384 : vector<512x128xi1>, vector<512x128xf32>
      %slice3A_386 = vector.extract_strided_slice %div3A_170 {offsets = [0, 10], sizes = [512, 1], strides = [1, 1]} : vector<512x16xf32> to vector<512x1xf32>
      %mul3A_387 = vector.broadcast %slice3A_386 : vector<512x1xf32> to vector<512x128xf32>
      %mul3A_388 = arith.mulf %mul3A_387, %select_n3A_385 : vector<512x128xf32>
      %add3A_389 = arith.addf %add3A_369, %mul3A_388 : vector<512x128xf32>
      %get3A_390 = arith.constant 11 : index
      %get3A_391 = arith.constant 0 : index
      %get3A_392 = arith.constant 0 : index
      %get3A_393 = vector.load %arg2[%get3A_390, %get3A_391, %get3A_392] : memref<16x512x128xf32, #tpu.memory_space<vmem>>, vector<1x512x128xf32>
      %get3A_394 = vector.shape_cast %get3A_393 : vector<1x512x128xf32> to vector<512x128xf32>
      %dot_general3A_395 = arith.constant dense<0.000000e+00> : vector<512x128xf32>
      %dot_general3A_396 = tpu.matmul %get3A_394, %get3A_1, %dot_general3A_395 {dimension_numbers = #tpu.dot_dimension_numbers<[1], [0], [0], [1], [0, 0, 1, 1], [], []>, transpose_lhs_hint = false} : vector<512x128xf32>, vector<128x128xf32>, vector<512x128xf32> -> vector<512x128xf32>
      %add3A_397 = vector.broadcast %get3A_4 : vector<1x128xf32> to vector<512x128xf32>
      %add3A_398 = arith.addf %dot_general3A_396, %add3A_397 : vector<512x128xf32>
      %ge3A_399 = arith.constant 0.000000e+00 : f32
      %ge3A_400 = vector.broadcast %ge3A_399 : f32 to vector<512x128xf32>
      %ge3A_401 = arith.cmpf oge, %add3A_398, %ge3A_400 : vector<512x128xf32>
      %mul3A_402 = arith.constant 2.000000e-01 : f32
      %mul3A_403 = vector.broadcast %mul3A_402 : f32 to vector<512x128xf32>
      %mul3A_404 = arith.mulf %mul3A_403, %add3A_398 : vector<512x128xf32>
      %select_n3A_405 = arith.select %ge3A_401, %add3A_398, %mul3A_404 : vector<512x128xi1>, vector<512x128xf32>
      %slice3A_406 = vector.extract_strided_slice %div3A_170 {offsets = [0, 11], sizes = [512, 1], strides = [1, 1]} : vector<512x16xf32> to vector<512x1xf32>
      %mul3A_407 = vector.broadcast %slice3A_406 : vector<512x1xf32> to vector<512x128xf32>
      %mul3A_408 = arith.mulf %mul3A_407, %select_n3A_405 : vector<512x128xf32>
      %add3A_409 = arith.addf %add3A_389, %mul3A_408 : vector<512x128xf32>
      %get3A_410 = arith.constant 12 : index
      %get3A_411 = arith.constant 0 : index
      %get3A_412 = arith.constant 0 : index
      %get3A_413 = vector.load %arg2[%get3A_410, %get3A_411, %get3A_412] : memref<16x512x128xf32, #tpu.memory_space<vmem>>, vector<1x512x128xf32>
      %get3A_414 = vector.shape_cast %get3A_413 : vector<1x512x128xf32> to vector<512x128xf32>
      %dot_general3A_415 = arith.constant dense<0.000000e+00> : vector<512x128xf32>
      %dot_general3A_416 = tpu.matmul %get3A_414, %get3A_1, %dot_general3A_415 {dimension_numbers = #tpu.dot_dimension_numbers<[1], [0], [0], [1], [0, 0, 1, 1], [], []>, transpose_lhs_hint = false} : vector<512x128xf32>, vector<128x128xf32>, vector<512x128xf32> -> vector<512x128xf32>
      %add3A_417 = vector.broadcast %get3A_4 : vector<1x128xf32> to vector<512x128xf32>
      %add3A_418 = arith.addf %dot_general3A_416, %add3A_417 : vector<512x128xf32>
      %ge3A_419 = arith.constant 0.000000e+00 : f32
      %ge3A_420 = vector.broadcast %ge3A_419 : f32 to vector<512x128xf32>
      %ge3A_421 = arith.cmpf oge, %add3A_418, %ge3A_420 : vector<512x128xf32>
      %mul3A_422 = arith.constant 2.000000e-01 : f32
      %mul3A_423 = vector.broadcast %mul3A_422 : f32 to vector<512x128xf32>
      %mul3A_424 = arith.mulf %mul3A_423, %add3A_418 : vector<512x128xf32>
      %select_n3A_425 = arith.select %ge3A_421, %add3A_418, %mul3A_424 : vector<512x128xi1>, vector<512x128xf32>
      %slice3A_426 = vector.extract_strided_slice %div3A_170 {offsets = [0, 12], sizes = [512, 1], strides = [1, 1]} : vector<512x16xf32> to vector<512x1xf32>
      %mul3A_427 = vector.broadcast %slice3A_426 : vector<512x1xf32> to vector<512x128xf32>
      %mul3A_428 = arith.mulf %mul3A_427, %select_n3A_425 : vector<512x128xf32>
      %add3A_429 = arith.addf %add3A_409, %mul3A_428 : vector<512x128xf32>
      %get3A_430 = arith.constant 13 : index
      %get3A_431 = arith.constant 0 : index
      %get3A_432 = arith.constant 0 : index
      %get3A_433 = vector.load %arg2[%get3A_430, %get3A_431, %get3A_432] : memref<16x512x128xf32, #tpu.memory_space<vmem>>, vector<1x512x128xf32>
      %get3A_434 = vector.shape_cast %get3A_433 : vector<1x512x128xf32> to vector<512x128xf32>
      %dot_general3A_435 = arith.constant dense<0.000000e+00> : vector<512x128xf32>
      %dot_general3A_436 = tpu.matmul %get3A_434, %get3A_1, %dot_general3A_435 {dimension_numbers = #tpu.dot_dimension_numbers<[1], [0], [0], [1], [0, 0, 1, 1], [], []>, transpose_lhs_hint = false} : vector<512x128xf32>, vector<128x128xf32>, vector<512x128xf32> -> vector<512x128xf32>
      %add3A_437 = vector.broadcast %get3A_4 : vector<1x128xf32> to vector<512x128xf32>
      %add3A_438 = arith.addf %dot_general3A_436, %add3A_437 : vector<512x128xf32>
      %ge3A_439 = arith.constant 0.000000e+00 : f32
      %ge3A_440 = vector.broadcast %ge3A_439 : f32 to vector<512x128xf32>
      %ge3A_441 = arith.cmpf oge, %add3A_438, %ge3A_440 : vector<512x128xf32>
      %mul3A_442 = arith.constant 2.000000e-01 : f32
      %mul3A_443 = vector.broadcast %mul3A_442 : f32 to vector<512x128xf32>
      %mul3A_444 = arith.mulf %mul3A_443, %add3A_438 : vector<512x128xf32>
      %select_n3A_445 = arith.select %ge3A_441, %add3A_438, %mul3A_444 : vector<512x128xi1>, vector<512x128xf32>
      %slice3A_446 = vector.extract_strided_slice %div3A_170 {offsets = [0, 13], sizes = [512, 1], strides = [1, 1]} : vector<512x16xf32> to vector<512x1xf32>
      %mul3A_447 = vector.broadcast %slice3A_446 : vector<512x1xf32> to vector<512x128xf32>
      %mul3A_448 = arith.mulf %mul3A_447, %select_n3A_445 : vector<512x128xf32>
      %add3A_449 = arith.addf %add3A_429, %mul3A_448 : vector<512x128xf32>
      %get3A_450 = arith.constant 14 : index
      %get3A_451 = arith.constant 0 : index
      %get3A_452 = arith.constant 0 : index
      %get3A_453 = vector.load %arg2[%get3A_450, %get3A_451, %get3A_452] : memref<16x512x128xf32, #tpu.memory_space<vmem>>, vector<1x512x128xf32>
      %get3A_454 = vector.shape_cast %get3A_453 : vector<1x512x128xf32> to vector<512x128xf32>
      %dot_general3A_455 = arith.constant dense<0.000000e+00> : vector<512x128xf32>
      %dot_general3A_456 = tpu.matmul %get3A_454, %get3A_1, %dot_general3A_455 {dimension_numbers = #tpu.dot_dimension_numbers<[1], [0], [0], [1], [0, 0, 1, 1], [], []>, transpose_lhs_hint = false} : vector<512x128xf32>, vector<128x128xf32>, vector<512x128xf32> -> vector<512x128xf32>
      %add3A_457 = vector.broadcast %get3A_4 : vector<1x128xf32> to vector<512x128xf32>
      %add3A_458 = arith.addf %dot_general3A_456, %add3A_457 : vector<512x128xf32>
      %ge3A_459 = arith.constant 0.000000e+00 : f32
      %ge3A_460 = vector.broadcast %ge3A_459 : f32 to vector<512x128xf32>
      %ge3A_461 = arith.cmpf oge, %add3A_458, %ge3A_460 : vector<512x128xf32>
      %mul3A_462 = arith.constant 2.000000e-01 : f32
      %mul3A_463 = vector.broadcast %mul3A_462 : f32 to vector<512x128xf32>
      %mul3A_464 = arith.mulf %mul3A_463, %add3A_458 : vector<512x128xf32>
      %select_n3A_465 = arith.select %ge3A_461, %add3A_458, %mul3A_464 : vector<512x128xi1>, vector<512x128xf32>
      %slice3A_466 = vector.extract_strided_slice %div3A_170 {offsets = [0, 14], sizes = [512, 1], strides = [1, 1]} : vector<512x16xf32> to vector<512x1xf32>
      %mul3A_467 = vector.broadcast %slice3A_466 : vector<512x1xf32> to vector<512x128xf32>
      %mul3A_468 = arith.mulf %mul3A_467, %select_n3A_465 : vector<512x128xf32>
      %add3A_469 = arith.addf %add3A_449, %mul3A_468 : vector<512x128xf32>
      %get3A_470 = arith.constant 15 : index
      %get3A_471 = arith.constant 0 : index
      %get3A_472 = arith.constant 0 : index
      %get3A_473 = vector.load %arg2[%get3A_470, %get3A_471, %get3A_472] : memref<16x512x128xf32, #tpu.memory_space<vmem>>, vector<1x512x128xf32>
      %get3A_474 = vector.shape_cast %get3A_473 : vector<1x512x128xf32> to vector<512x128xf32>
      %dot_general3A_475 = arith.constant dense<0.000000e+00> : vector<512x128xf32>
      %dot_general3A_476 = tpu.matmul %get3A_474, %get3A_1, %dot_general3A_475 {dimension_numbers = #tpu.dot_dimension_numbers<[1], [0], [0], [1], [0, 0, 1, 1], [], []>, transpose_lhs_hint = false} : vector<512x128xf32>, vector<128x128xf32>, vector<512x128xf32> -> vector<512x128xf32>
      %add3A_477 = vector.broadcast %get3A_4 : vector<1x128xf32> to vector<512x128xf32>
      %add3A_478 = arith.addf %dot_general3A_476, %add3A_477 : vector<512x128xf32>
      %ge3A_479 = arith.constant 0.000000e+00 : f32
      %ge3A_480 = vector.broadcast %ge3A_479 : f32 to vector<512x128xf32>
      %ge3A_481 = arith.cmpf oge, %add3A_478, %ge3A_480 : vector<512x128xf32>
      %mul3A_482 = arith.constant 2.000000e-01 : f32
      %mul3A_483 = vector.broadcast %mul3A_482 : f32 to vector<512x128xf32>
      %mul3A_484 = arith.mulf %mul3A_483, %add3A_478 : vector<512x128xf32>
      %select_n3A_485 = arith.select %ge3A_481, %add3A_478, %mul3A_484 : vector<512x128xi1>, vector<512x128xf32>
      %slice3A_486 = vector.extract_strided_slice %div3A_170 {offsets = [0, 15], sizes = [512, 1], strides = [1, 1]} : vector<512x16xf32> to vector<512x1xf32>
      %mul3A_487 = vector.broadcast %slice3A_486 : vector<512x1xf32> to vector<512x128xf32>
      %mul3A_488 = arith.mulf %mul3A_487, %select_n3A_485 : vector<512x128xf32>
      %add3A_489 = arith.addf %add3A_469, %mul3A_488 : vector<512x128xf32>
      %swap3A = arith.constant 0 : index
      %swap3A_490 = arith.constant 0 : index
      %swap3A_491 = vector.load %arg6[%swap3A, %swap3A_490] : memref<512x128xf32, #tpu.memory_space<vmem>>, vector<512x128xf32>
      tpu.vector_store %arg6[%swap3A, %swap3A_490], %add3A_489 {strides = array<i32>} : memref<512x128xf32, #tpu.memory_space<vmem>>, vector<512x128xf32>,
    } else {
    }
    %ge3A = arith.constant 64 : i32
    %ge3A_7 = arith.cmpi sge, %arg0, %ge3A : i32
    %convert_element_type3A_8 = arith.extui %ge3A_7 : i1 to i32
    %cond3A_9 = arith.constant 0 : i32
    %cond3A_10 = arith.cmpi ne, %convert_element_type3A_8, %cond3A_9 : i32
    scf.if %cond3A_10 {
      %get3A_11 = arith.constant 0 : index
      %get3A_12 = arith.constant 0 : index
      %get3A_13 = vector.load %arg1[%get3A_11, %get3A_12] : memref<512x128xf32, #tpu.memory_space<vmem>>, vector<512x128xf32>
      %dot_general3A = arith.constant dense<0.000000e+00> : vector<512x128xf32>
      %dot_general3A_14 = tpu.matmul %get3A_13, %get3A_1, %dot_general3A {dimension_numbers = #tpu.dot_dimension_numbers<[1], [0], [0], [1], [0, 0, 1, 1], [], []>, transpose_lhs_hint = false} : vector<512x128xf32>, vector<128x128xf32>, vector<512x128xf32> -> vector<512x128xf32>
      %add3A = vector.broadcast %get3A_4 : vector<1x128xf32> to vector<512x128xf32>
      %add3A_15 = arith.addf %dot_general3A_14, %add3A : vector<512x128xf32>
      %ge3A_16 = arith.constant 0.000000e+00 : f32
      %ge3A_17 = vector.broadcast %ge3A_16 : f32 to vector<512x128xf32>
      %ge3A_18 = arith.cmpf oge, %add3A_15, %ge3A_17 : vector<512x128xf32>
      %mul3A = arith.constant 2.000000e-01 : f32
      %mul3A_19 = vector.broadcast %mul3A : f32 to vector<512x128xf32>
      %mul3A_20 = arith.mulf %mul3A_19, %add3A_15 : vector<512x128xf32>
      %select_n3A = arith.select %ge3A_18, %add3A_15, %mul3A_20 : vector<512x128xi1>, vector<512x128xf32>
      %swap3A = arith.constant 0 : index
      %swap3A_21 = arith.constant 0 : index
      %swap3A_22 = vector.load %arg6[%swap3A, %swap3A_21] : memref<512x128xf32, #tpu.memory_space<vmem>>, vector<512x128xf32>
      tpu.vector_store %arg6[%swap3A, %swap3A_21], %select_n3A {strides = array<i32>} : memref<512x128xf32, #tpu.memory_space<vmem>>, vector<512x128xf32>,
    } else {
    }
    return
  }
  func.func @transform_0(%arg0: i32) -> (i32, i32) {
    %c0_i32 = arith.constant 0 : i32
    %c0_i32_0 = arith.constant 0 : i32
    return %arg0, %c0_i32 : i32, i32
  }
  func.func @transform_1(%arg0: i32) -> (i32, i32, i32) {
    %min3A = arith.constant 63 : i32
    %min3A_0 = arith.minsi %arg0, %min3A : i32
    %c0_i32 = arith.constant 0 : i32
    %c0_i32_1 = arith.constant 0 : i32
    %c0_i32_2 = arith.constant 0 : i32
    return %c0_i32, %min3A_0, %c0_i32_1 : i32, i32, i32
  }
  func.func @transform_2(%arg0: i32) -> (i32, i32) {
    %min3A = arith.constant 63 : i32
    %min3A_0 = arith.minsi %arg0, %min3A : i32
    %c0_i32 = arith.constant 0 : i32
    %c0_i32_1 = arith.constant 0 : i32
    return %min3A_0, %c0_i32 : i32, i32
  }
  func.func @transform_3(%arg0: i32) -> (i32, i32) {
    %c0_i32 = arith.constant 0 : i32
    %c0_i32_0 = arith.constant 0 : i32
    %c0_i32_1 = arith.constant 0 : i32
    return %c0_i32, %c0_i32_0 : i32, i32
  }
  func.func @transform_4(%arg0: i32) -> (i32, i32) {
    %c0_i32 = arith.constant 0 : i32
    %c0_i32_0 = arith.constant 0 : i32
    %c0_i32_1 = arith.constant 0 : i32
    return %c0_i32, %c0_i32_0 : i32, i32
  }
  func.func @transform_5(%arg0: i32) -> (i32, i32) {
    %c0_i32 = arith.constant 0 : i32
    %c0_i32_0 = arith.constant 0 : i32
    return %arg0, %c0_i32 : i32, i32
  }
}

</mosaic_0001>

<sc_bundles>
// kernel: kernel.4.cloned.1.call-start
scs
__scs_entry_jumppad:
0x0: {  	(pc) =	sbr.rel $0x88, $3  }
0x1: {  	(tag) =	ssettag $0x0;
	lr =	simm.s32 $0x1  }
0x2: {  	[smem:$0x3F9C] =	sst lr;
	_ =	strace $0xD0000000  }
0x3: {  	_ = 	snop  }
0x4: {  	_ = 	snop  }
0x5: {  	_ = 	snop  }
0x6: {  	_ = 	snop  }
0x7: {  	_ = 	snop  }
__scs_overlays_trampoline_lowered:
0x8: {  	[smem:$0x3FAB] =	sst s0  }
0x9: {  	[smem:$0x3FAC] =	sst s1  }
0xa: {  	[smem:$0x3FAD] =	sst s2  }
0xb: {  	[smem:$0x3FAE] =	sst s3  }
0xc: {  	[smem:$0x3FAF] =	sst s4  }
0xd: {  	[smem:$0x3FB0] =	sst s5  }
0xe: {  	[smem:$0x3FB1] =	sst s6  }
0xf: {  	[smem:$0x3FB2] =	sst s7  }
0x10: {  	[smem:$0x3FB3] =	sst s8  }
0x11: {  	[smem:$0x3FB4] =	sst s9;
	s0 =	simm.s32 @!p0 $0x0  }
0x12: {  	s1 =	sld [smem:$0x3F9A];
	s0 =	simm.s32 @p0 $0x1  }
0x13: {  	[smem:$0x3FB5] =	sst s0;
	s0 =	simm.s32 @!p1 $0x0  }
0x14: {  	s2 =	sld [smem:$0x3F99];
	s0 =	simm.s32 @p1 $0x1  }
0x15: {  	[smem:$0x3FB6] =	sst s0;
	s0 =	simm.s32 @!p2 $0x0  }
0x16: {  	s3 =	sld [smem:$0x3FDB];
	s0 =	simm.s32 @p2 $0x1  }
0x17: {  	s4 =	simm.s32 $0x1BF5;
	[smem:$0x3FB8] =	sst s0  }
0x18: {  	s0 =	sld [smem:$0x3F9B];
	_ =	swait.ge [sflag:s4], $0x0  }
0x19: {  	s7 =	sld [smem:$0x3F9C]  }
0x1a: {  	s8 =	sadd.s32 $0xFFFFE003, lr  }
0x1b: {  	s9 =	sadd.s32 $0xFFFFFEF7, lr;
	s5 =	simm.s32 $0xFFFFFFFF;
	p2 =	slt.u32 s8, $0xFFFFF086  }
0x1c: {  	p1 =	slt.u32 s9, $0xF7A;
	s5 =	simm.s32 @!p2 $0x0  }
0x1d: {  	s5 =	simm.s32 @p1 $0x1;
	p0 =	seq.s32 s7, s2  }
0x1e: {  	s7 =	smul.u32 @!p0 $0xF7A, s2;
	p2 =	seq.s32 @!p0 s5, $0x0  }
0x1f: {  	s9 =	smul.u32 $0xF7A, s1;
	s8 =	simm.s32 @!p0 $0x1BF5;
	p2 =	por !p2, p0  }
0x20: {  	[sflag:s8] =	ssyncset.s32 @!p0 $0xFFFFF086;
	s6 =	sadd.s32 @!p0 s3, s7;
	s7 =	simm.s32 @!p0 $0x108  }
0x21: {  	s3 =	sadd.s32 s3, s9;
	s6 =	sadd.s32 @!p0 $0x88, s6;
	s7 =	simm.s32 @p2 $0x1082  }
0x22: {  	[simem:s7], [sflag:s8] =	dma.local @!p0 [hbm:s6], $0xF7A  }
0x23: {  	s9 =	sor.u32 $0xD0000000, s2;
	s6 =	simm.s32 $0x108;
	_ =	swait.ge @!p0 [sflag:s8], $0x0  }
0x24: {  	s3 =	sadd.s32 $0x88, s3;
	s6 =	simm.s32 @!p1 $0x1082;
	[sflag:s4] =	ssyncset.s32 $0xFFFFF086  }
0x25: {  	[simem:s6], [sflag:s4] =	dma.local [hbm:s3], $0xF7A  }
0x26: {  	[smem:$0x3F9C] =	sst s1;
	(tag) =	ssettag s2;
	_ =	strace s9  }
0x27: {  	s1 =	sld [smem:$0x3FAC]  }
0x28: {  	s2 =	sld [smem:$0x3FAD]  }
0x29: {  	s4 =	sld [smem:$0x3FAF]  }
0x2a: {  	p0 =	seq.s32 s5, $0x0;
	s5 =	sld [smem:$0x3FB0]  }
0x2b: {  	s6 =	sld [smem:$0x3FB1]  }
0x2c: {  	s7 =	sld [smem:$0x3FB2]  }
0x2d: {  	s3 =	simm.s32 $0x108;
	s8 =	sld [smem:$0x3FB3]  }
0x2e: {  	s3 =	simm.s32 @!p0 $0x1082;
	s9 =	sld [smem:$0x3FB4]  }
0x2f: {  	lr =	sadd.s32 s0, s3;
	s0 =	sld [smem:$0x3FAB]  }
0x30: {  	s3 =	sld [smem:$0x3FAE]  }
0x31: {  	[smem:$0x3FB7] =	sst s10  }
0x32: {  	s10 =	sld [smem:$0x3FB5];
	_ =	sdelay $0x3  }
0x33: {  	p0 =	seq.s32 s10, $0x1;
	s10 =	sld [smem:$0x3FB7];
	_ =	sdelay $0x3  }
0x34: {  	[smem:$0x3FB7] =	sst s10  }
0x35: {  	s10 =	sld [smem:$0x3FB6];
	_ =	sdelay $0x3  }
0x36: {  	p1 =	seq.s32 s10, $0x1;
	s10 =	sld [smem:$0x3FB7];
	_ =	sdelay $0x3  }
0x37: {  	[smem:$0x3FB7] =	sst s10  }
0x38: {  	s10 =	sld [smem:$0x3FB8]  }
0x39: {  	_ = 	snop;
	(pc) =	sbr.ind lr, $3  }
0x3a: {  	_ = 	snop  }
0x3b: {  	_ = 	snop  }
0x3c: {  	p2 =	seq.s32 s10, $0x1;
	s10 =	sld [smem:$0x3FB7]  }
0x3d: {  	_ =	shalt  }
0x3e: {  	_ =	shalt  }
0x3f: {  	_ =	shalt  }
0x40: {  	_ =	shalt  }
0x41: {  	_ =	shalt  }
0x42: {  	_ =	shalt  }
0x43: {  	_ =	shalt  }
0x44: {  	_ =	shalt  }
0x45: {  	_ =	shalt  }
0x46: {  	_ =	shalt  }
0x47: {  	_ =	shalt  }
0x48: {  	_ =	shalt  }
0x49: {  	_ =	shalt  }
0x4a: {  	_ =	shalt  }
0x4b: {  	_ =	shalt  }
0x4c: {  	_ =	shalt  }
0x4d: {  	_ =	shalt  }
0x4e: {  	_ =	shalt  }
0x4f: {  	_ =	shalt  }
0x50: {  	_ =	shalt  }
0x51: {  	_ =	shalt  }
0x52: {  	_ =	shalt  }
0x53: {  	_ =	shalt  }
0x54: {  	_ =	shalt  }
0x55: {  	_ =	shalt  }
0x56: {  	_ =	shalt  }
0x57: {  	_ =	shalt  }
0x58: {  	_ =	shalt  }
0x59: {  	_ =	shalt  }
0x5a: {  	_ =	shalt  }
0x5b: {  	_ =	shalt  }
0x5c: {  	_ =	shalt  }
0x5d: {  	_ =	shalt  }
0x5e: {  	_ =	shalt  }
0x5f: {  	_ =	shalt  }
0x60: {  	_ =	shalt  }
0x61: {  	_ =	shalt  }
0x62: {  	_ =	shalt  }
0x63: {  	_ =	shalt  }
0x64: {  	_ =	shalt  }
0x65: {  	_ =	shalt  }
0x66: {  	_ =	shalt  }
0x67: {  	_ =	shalt  }
0x68: {  	_ =	shalt  }
0x69: {  	_ =	shalt  }
0x6a: {  	_ =	shalt  }
0x6b: {  	_ =	shalt  }
0x6c: {  	_ =	shalt  }
0x6d: {  	_ =	shalt  }
0x6e: {  	_ =	shalt  }
0x6f: {  	_ =	shalt  }
0x70: {  	_ =	shalt  }
0x71: {  	_ =	shalt  }
0x72: {  	_ =	shalt  }
0x73: {  	_ =	shalt  }
0x74: {  	_ =	shalt  }
0x75: {  	_ =	shalt  }
0x76: {  	_ =	shalt  }
0x77: {  	_ =	shalt  }
0x78: {  	_ =	shalt  }
0x79: {  	_ =	shalt  }
0x7a: {  	_ =	shalt  }
0x7b: {  	_ =	shalt  }
0x7c: {  	_ =	shalt  }
0x7d: {  	_ =	shalt  }
0x7e: {  	_ =	shalt  }
0x7f: {  	_ =	shalt  }
0x80: {  	_ =	shalt  }
0x81: {  	_ =	shalt  }
0x82: {  	_ =	shalt  }
0x83: {  	_ =	shalt  }
0x84: {  	_ =	shalt  }
0x85: {  	_ =	shalt  }
0x86: {  	_ =	shalt  }
0x87: {  	_ =	shalt  }
.Lfunc_end0:
.L_simem_size_0:
called_computation_lowered:
.L_overlay_start_0:
0x88: {  	s2 =	sld [smem:$0x3FD9]  }
0x89: {  	s3 =	sld [smem:$0x3FFE];
	_ =	sdelay $0x1  }
0x8a: {  	s1 =	srdreg.scid  }
0x8b: {  	s0 =	sand.u32 $0x1, s1  }
0x8c: {  	s17 =	sshll.u32 s0, $0xA;
	s2 =	sadd.s32 s3, s2  }
0x8d: {  	s2 =	sadd.s32 s2, s17  }
0x8e: {  	[smem:$0x3FC3] =	sst s2  }
0x8f: {  	_ = 	snop  }
0x90: {  	s2 =	sld [smem:$0x3FC9]  }
0x91: {  	s18 =	sld [smem:$0x3FD0];
	(tm) =	ssettm $0x1  }
0x92: {  	s4 =	sld [smem:$0x3FFB];
	_ =	sdelay $0x3  }
0x93: {  	_ =	strace s4  }
0x94: {  	s4 =	sld [smem:$0x3FFC];
	_ =	sdelay $0x3  }
0x95: {  	_ =	strace s4  }
0x96: {  	s4 =	sld [smem:$0x3FFD];
	_ =	sdelay $0x3  }
0x97: {  	_ =	strace s4  }
0x98: {  	_ =	strace $0x8FFFFFFF  }
0x99: {  	s19 =	sld [smem:$0x3FDB];
	_ =	sdelay $0x1  }
0x9a: {  	s5 =	simm.s32 $_scs_section_size  }
0x9b: {  	s6 =	simm.s32 $_size__tile_overlayer_lowered;
	s7 =	simm.s32 $_tile_overlayer_lowered  }
0x9c: {  	s22 =	simm.s32 $0x1BFF;
	s21 =	sshll.u32 s7, $0x1;
	s4 =	sadd.s32 s5, s19  }
0x9d: {  	s8 =	simm.s32 $0x0;
	s20 =	sshll.u32 s6, $0x1;
	s6 =	sadd.s32 s21, s4  }
0x9e: {  	[timem:s8], [sflag:s22] =	dma.local [hbm:s6], s20  }
0x9f: {  	_ =	swait.ge [sflag:s22], s20  }
0xa0: {  	s5 =	ssub.s32 $0x0, s20;
	[sflag:s22] =	ssyncset.done $0x0  }
0xa1: {  	[sflag:s22] =	ssyncadd.s32 s5;
	_ =	sdelay $0x1  }
0xa2: {  	s23 =	simm.s32 $0x1B8B  }
0xa3: {  	_ =	swait.ge [sflag:s23], $0x1  }
0xa4: {  	[sflag:s23] =	ssyncset.done $0x0  }
0xa5: {  	s25 =	simm.s32 $0x1B8E;
	s24 =	sld [smem:$0x3FFE];
	[sflag:s23] =	ssyncadd.s32 $0xFFFFFFFF  }
0xa6: {  	s26 =	simm.s32 $execute0_lowered;
	[smem:$0x3FD2] =	sst s25  }
0xa7: {  	s6 =	sshll.u32 s26, $0x1;
	_ =	strace $0x80000046;
	[dreg:$0x1] =	wrdreg $0xFFFFFFFF  }
0xa8: {  	s28 =	simm.s32 $_size_execute0_lowered;
	s4 =	sadd.s32 s4, s6;
	[dreg:$0x0] =	wrdreg $0x0  }
0xa9: {  	s6 =	sshll.u32 s28, $0x1;
	[dreg:$0x2] =	wrdreg s4  }
0xaa: {  	[dreg:$0x3] =	wrdreg s6  }
0xab: {  	[dreg:$0x4] =	wrdreg $0xC0  }
0xac: {  	_ =	task [dreg:s8], $0x5FFFF  }
0xad: {  	[dreg:$0x1] =	wrdreg $0xFFFFFFFF  }
0xae: {  	[dreg:$0x0] =	wrdreg $0x60  }
0xaf: {  	[dreg:$0x2] =	wrdreg s2  }
0xb0: {  	[dreg:$0x3] =	wrdreg s18  }
0xb1: {  	[dreg:$0x4] =	wrdreg s24  }
0xb2: {  	[dreg:$0x5] =	wrdreg $0x9  }
0xb3: {  	_ =	task.clear_ibuf [dreg:s8], $0x6FFFF;
	_ =	strace $0x90000046  }
0xb4: {  	s29 =	simm.s32 $0x9;
	_ =	strace $0x80000048  }
0xb5: {  	_ =	swait.ge [sflag:s29], $0x1  }
0xb6: {  	[sflag:s29] =	ssyncadd.s32 $0xFFFFFFFF  }
0xb7: {  	_ =	strace $0x90000048  }
0xb8: {  	_ =	sfence  }
0xb9: {  	s30 =	sld [smem:$0x0];
	_ =	sdelay $0x2  }
0xba: {  	s31 =	sshll.u32 s1, $0xD;
	s1 =	sshrl.u32 s1, $0x2  }
0xbb: {  	s3 =	sand.u32 $0x4000, s31;
	s1 =	sadd.s32 s1, s30  }
0xbc: {  	s0 =	sor.u32 s3, s0;
	s1 =	sshll.u32 s1, $0x11  }
0xbd: {  	s0 =	sor.u32 s1, s0  }
0xbe: {  	s0 =	sadd.s32 $0x8F2B, s0  }
0xbf: {  	[sflag:s0] =	ssyncadd.remote.s32 $0x1  }
0xc0: {  	_ =	sfence.sel $0xFFFF  }
0xc1: {  	[dreg:$0x0] =	wrdreg $0xFFFFFFFF;
	(pc) =	sbr.abs _section_cstart, $3  }
0xc2: {  	[dreg:$0x1] =	wrdreg $0xFFFFFFFF  }
0xc3: {  	_ =	task.clear_ibuf [dreg:s8], $0x2FFFF;
	_ =	strace $0x9FFFFFFF  }
0xc4: {  	(tm) =	ssettm $0x7FFFFFFF  }
0xc5: {  	_ =	shalt  }
tec
execute0_lowered:
.L_overlay_start_1:
0x0: {  	(tag) =	ssettag $0x1  }
0x1: {  	s1 =	rddreg [dreg:$0x0]  }
0x2: {  	s0 =	rddreg [dreg:$0x1]  }
0x3: {  	s2 =	rddreg [dreg:$0x2];
	s3 =	simm.s32 $0x0;
	s4 =	srdreg.scid  }
0x4: {  	s10 =	stileid.u32;
	s14 =	simm.s32 $0x9;
	s15 =	simm.s32 $0x80  }
0x5: {  	s16 =	simm.s32 $0x4000;
	s17 =	simm.s32 $0x8000;
	s19 =	simm.s32 $0xC000  }
0x6: {  	s28 =	simm.s32 $0x6;
	s29 =	simm.s32 $0x7;
	s30 =	simm.s32 $0x8  }
0x7: {  	s31 =	simm.s32 $0x0;
	[smem:$0x7FF] =	sst s3;
	s4 =	sand.u32 $0x1, s4  }
0x8: {  	s5 =	sshll.u32 s10, $0x1;
	s2 =	sadd.s32 $0xA00, s2;
	s21 =	sshll.u32 s10, $0x16  }
0x9: {  	_ =	strace $0x80000047;
	s6 =	ssub.s32 $0x2, s4;
	s5 =	sor.u32 s4, s5  }
0xa: {  	s4 =	sshll.u32 s4, $0x15;
	s7 =	sshrl.u32 s6, $0x1;
	s8 =	sshll.u32 s5, $0xB  }
0xb: {  	s5 =	sshll.u32 s5, $0x12;
	s4 =	sor.u32 s4, s21;
	s21 =	simm.s32 $0x10000  }
0xc: {  	s9 =	ssub.s32 s6, s7;
	s0 =	sadd.s32 s0, s8;
	s20 =	sadd.s32 s5, s2  }
0xd: {  	s23 =	sor.u32 $0xC000, s4;
	s11 =	sor.u32 $0x4000, s4;
	s26 =	sshrl.u32 s4, $0x3  }
0xe: {  	[dreg:$0x4] =	wrdreg s0;
	s5 =	sadd.s32 $0x3E000, s20;
	s22 =	sadd.s32 $0x3E800, s20  }
0xf: {  	s7 =	sadd.s32 $0x3F000, s20;
	s8 =	sadd.s32 $0x3F800, s20;
	s9 =	smax.u32 s9, $0x1  }
0x10: {  	s0 =	sshrl.u32 s23, $0x3;
	s25 =	sshrl.u32 s11, $0x3;
	s13 =	sadd.s32 s26, s2  }
0x11: {  	s23 =	simm.s32 $0x2;
	s26 =	simm.s32 $0x5;
	[dreg:$0x5] =	wrdreg s5  }
0x12: {  	[dreg:$0x6] =	wrdreg s22;
	s5 =	sor.u32 $0x8000, s4;
	s10 =	sadd.s32 s0, s2  }
0x13: {  	s12 =	sadd.s32 s25, s2;
	s22 =	simm.s32 $0x1;
	s24 =	sshrl.u32 s5, $0x3  }
0x14: {  	s25 =	simm.s32 $0x4;
	s11 =	sadd.s32 s24, s2;
	s24 =	simm.s32 $0x3  }
.LBB2_1:
0x15: {  	s0 =	rddreg [dreg:$0x4]  }
0x16: {  	[tilespmem:s3], [sflag:$0x9] =	stream.linear.gather [hbm4b:s0+s3], $0x4000, $0x38;
	[tilespmem:$0x14000] =	vst v63  }
0x17: {  	_ =	swait.ge [sflag:s14], $0x4000  }
0x18: {  	[sflag:s14] =	ssyncset.done $0x0  }
0x19: {  	[sflag:s14] =	ssyncadd.s32 $0xFFFFC000  }
0x1a: {  	[tilespmem:s16], [sflag:$0x1] =	stream.indirect.gather [hbm4b:s1+s15], $0x80, s3, s15, $0xb8;
	[tilespmem:$0x14000] =	vst v63  }
0x1b: {  	_ = 	snop  }
0x1c: {  	[tilespmem:s17], [sflag:$0x2] =	stream.indirect.gather [hbm4b:s1+s15], $0x80, s15, s15, $0xb8;
	[tilespmem:$0x14000] =	vst v63  }
0x1d: {  	s4 =	simm.s32 $0x100  }
0x1e: {  	[tilespmem:s19], [sflag:$0x3] =	stream.indirect.gather [hbm4b:s1+s15], $0x80, s4, s15, $0xb8;
	[tilespmem:$0x14000] =	vst v63  }
0x1f: {  	s5 =	simm.s32 $0x180  }
0x20: {  	[tilespmem:s21], [sflag:$0x4] =	stream.indirect.gather [hbm4b:s1+s15], $0x80, s5, s15, $0xb8;
	[tilespmem:$0x14000] =	vst v63  }
0x21: {  	_ =	swait.ge [sflag:s22], $0x4000  }
0x22: {  	[sflag:s22] =	ssyncset.done $0x0  }
0x23: {  	[sflag:s22] =	ssyncadd.s32 $0xFFFFC000  }
0x24: {  	[hbm4b:s13+s3] =	stream.linear.scatter [tilespmem:s16], [sflag:$0x5], $0x4000, $0x38;
	[tilespmem:$0x14000] =	vst v63  }
0x25: {  	_ =	swait.ge [sflag:s23], $0x4000  }
0x26: {  	[sflag:s23] =	ssyncset.done $0x0  }
0x27: {  	[sflag:s23] =	ssyncadd.s32 $0xFFFFC000  }
0x28: {  	[hbm4b:s12+s3] =	stream.linear.scatter [tilespmem:s17], [sflag:$0x6], $0x4000, $0x38;
	[tilespmem:$0x14000] =	vst v63  }
0x29: {  	_ =	swait.ge [sflag:s24], $0x4000  }
0x2a: {  	[sflag:s24] =	ssyncset.done $0x0  }
0x2b: {  	[sflag:s24] =	ssyncadd.s32 $0xFFFFC000  }
0x2c: {  	[hbm4b:s11+s3] =	stream.linear.scatter [tilespmem:s19], [sflag:$0x7], $0x4000, $0x38;
	[tilespmem:$0x14000] =	vst v63  }
0x2d: {  	_ =	swait.ge [sflag:s25], $0x4000  }
0x2e: {  	[sflag:s25] =	ssyncset.done $0x0  }
0x2f: {  	[sflag:s25] =	ssyncadd.s32 $0xFFFFC000  }
0x30: {  	[hbm4b:s10+s3] =	stream.linear.scatter [tilespmem:s21], [sflag:$0x8], $0x4000, $0x38;
	[tilespmem:$0x14000] =	vst v63  }
0x31: {  	_ =	swait.ge [sflag:s26], $0x4000  }
0x32: {  	[sflag:s26] =	ssyncset.done $0x0  }
0x33: {  	s6 =	simm.s32 $0x200;
	[sflag:s26] =	ssyncadd.s32 $0xFFFFC000  }
0x34: {  	[tilespmem:s16], [sflag:$0x1] =	stream.indirect.gather [hbm4b:s1+s15], $0x80, s6, s15, $0xb8;
	[tilespmem:$0x14000] =	vst v63  }
0x35: {  	_ =	swait.ge [sflag:s28], $0x4000  }
0x36: {  	[sflag:s28] =	ssyncset.done $0x0  }
0x37: {  	s18 =	simm.s32 $0x280;
	[sflag:s28] =	ssyncadd.s32 $0xFFFFC000  }
0x38: {  	[tilespmem:s17], [sflag:$0x2] =	stream.indirect.gather [hbm4b:s1+s15], $0x80, s18, s15, $0xb8;
	[tilespmem:$0x14000] =	vst v63  }
0x39: {  	_ =	swait.ge [sflag:s29], $0x4000  }
0x3a: {  	[sflag:s29] =	ssyncset.done $0x0  }
0x3b: {  	s20 =	simm.s32 $0x300;
	[sflag:s29] =	ssyncadd.s32 $0xFFFFC000  }
0x3c: {  	[tilespmem:s19], [sflag:$0x3] =	stream.indirect.gather [hbm4b:s1+s15], $0x80, s20, s15, $0xb8;
	[tilespmem:$0x14000] =	vst v63  }
0x3d: {  	s2 =	sadd.s32 $0x2000, s13;
	s0 =	simm.s32 $0x800;
	_ =	swait.ge [sflag:s30], $0x4000  }
0x3e: {  	s4 =	sadd.s32 $0x2000, s10;
	s5 =	simm.s32 $0x380;
	[sflag:s30] =	ssyncset.done $0x0  }
0x3f: {  	s18 =	sadd.s32 $0x2000, s11;
	s20 =	sadd.s32 $0x2000, s12;
	[sflag:s30] =	ssyncadd.s32 $0xFFFFC000  }
.LBB2_2:
0x40: {  	[tilespmem:s21], [sflag:$0x4] =	stream.indirect.gather [hbm4b:s1+s15], $0x80, s5, s15, $0xb8;
	[tilespmem:$0x14000] =	vst v63  }
0x41: {  	s5 =	smov.u32 s0  }
0x42: {  	p0 =	sne.s32 s0, $0xF000;
	s0 =	sadd.s32 $0x800, s0;
	_ =	swait.ge [sflag:s22], $0x4000  }
0x43: {  	[sflag:s22] =	ssyncset.done $0x0  }
0x44: {  	[sflag:s22] =	ssyncadd.s32 $0xFFFFC000  }
0x45: {  	[hbm4b:s2+s3] =	stream.linear.scatter [tilespmem:s16], [sflag:$0x5], $0x4000, $0x38;
	[tilespmem:$0x14000] =	vst v63  }
0x46: {  	_ =	swait.ge [sflag:s23], $0x4000  }
0x47: {  	[sflag:s23] =	ssyncset.done $0x0  }
0x48: {  	[sflag:s23] =	ssyncadd.s32 $0xFFFFC000  }
0x49: {  	[hbm4b:s20+s3] =	stream.linear.scatter [tilespmem:s17], [sflag:$0x6], $0x4000, $0x38;
	[tilespmem:$0x14000] =	vst v63  }
0x4a: {  	_ =	swait.ge [sflag:s24], $0x4000  }
0x4b: {  	[sflag:s24] =	ssyncset.done $0x0  }
0x4c: {  	[sflag:s24] =	ssyncadd.s32 $0xFFFFC000  }
0x4d: {  	[hbm4b:s18+s3] =	stream.linear.scatter [tilespmem:s19], [sflag:$0x7], $0x4000, $0x38;
	[tilespmem:$0x14000] =	vst v63  }
0x4e: {  	_ =	swait.ge [sflag:s25], $0x4000  }
0x4f: {  	[sflag:s25] =	ssyncset.done $0x0  }
0x50: {  	[sflag:s25] =	ssyncadd.s32 $0xFFFFC000  }
0x51: {  	[hbm4b:s4+s3] =	stream.linear.scatter [tilespmem:s21], [sflag:$0x8], $0x4000, $0x38;
	[tilespmem:$0x14000] =	vst v63  }
0x52: {  	_ =	swait.ge [sflag:s26], $0x4000  }
0x53: {  	s5 =	sshra.s32 s5, $0x2;
	[sflag:s26] =	ssyncset.done $0x0  }
0x54: {  	s6 =	sadd.s32 $0x200, s5;
	[sflag:s26] =	ssyncadd.s32 $0xFFFFC000  }
0x55: {  	[tilespmem:s16], [sflag:$0x1] =	stream.indirect.gather [hbm4b:s1+s15], $0x80, s6, s15, $0xb8;
	[tilespmem:$0x14000] =	vst v63  }
0x56: {  	_ =	swait.ge [sflag:s28], $0x4000  }
0x57: {  	[sflag:s28] =	ssyncset.done $0x0  }
0x58: {  	s6 =	sadd.s32 $0x280, s5;
	[sflag:s28] =	ssyncadd.s32 $0xFFFFC000  }
0x59: {  	[tilespmem:s17], [sflag:$0x2] =	stream.indirect.gather [hbm4b:s1+s15], $0x80, s6, s15, $0xb8;
	[tilespmem:$0x14000] =	vst v63  }
0x5a: {  	_ =	swait.ge [sflag:s29], $0x4000  }
0x5b: {  	[sflag:s29] =	ssyncset.done $0x0  }
.Ltmp0:
0x5c: {  	s6 =	sadd.s32 $0x300, s5;
	[sflag:s29] =	ssyncadd.s32 $0xFFFFC000;
	(pc) =	sbr.rel @p0 .LBB2_2-.Ltmp0, $4  }
0x5d: {  	[tilespmem:s19], [sflag:$0x3] =	stream.indirect.gather [hbm4b:s1+s15], $0x80, s6, s15, $0xb8;
	[tilespmem:$0x14000] =	vst v63  }
0x5e: {  	s2 =	sadd.s32 $0x2000, s2;
	_ =	swait.ge [sflag:s30], $0x4000  }
0x5f: {  	s20 =	sadd.s32 $0x2000, s20;
	s18 =	sadd.s32 $0x2000, s18;
	[sflag:s30] =	ssyncset.done $0x0  }
0x60: {  	s4 =	sadd.s32 $0x2000, s4;
	s5 =	sadd.s32 $0x380, s5;
	[sflag:s30] =	ssyncadd.s32 $0xFFFFC000  }
0x61: {  	[tilespmem:s21], [sflag:$0x4] =	stream.indirect.gather [hbm4b:s1+s15], $0x80, s5, s15, $0xb8;
	[tilespmem:$0x14000] =	vst v63  }
0x62: {  	_ =	swait.ge [sflag:s22], $0x4000  }
0x63: {  	[sflag:s22] =	ssyncset.done $0x0  }
0x64: {  	s0 =	rddreg [dreg:$0x5];
	[sflag:s22] =	ssyncadd.s32 $0xFFFFC000  }
0x65: {  	[hbm4b:s0+s3] =	stream.linear.scatter [tilespmem:s16], [sflag:$0x5], $0x4000, $0x38;
	[tilespmem:$0x14000] =	vst v63  }
0x66: {  	_ =	swait.ge [sflag:s23], $0x4000  }
0x67: {  	[sflag:s23] =	ssyncset.done $0x0  }
0x68: {  	s20 =	rddreg [dreg:$0x6];
	[sflag:s23] =	ssyncadd.s32 $0xFFFFC000  }
0x69: {  	[hbm4b:s20+s3] =	stream.linear.scatter [tilespmem:s17], [sflag:$0x6], $0x4000, $0x38;
	[tilespmem:$0x14000] =	vst v63  }
0x6a: {  	_ =	swait.ge [sflag:s24], $0x4000  }
0x6b: {  	[sflag:s24] =	ssyncset.done $0x0  }
0x6c: {  	[sflag:s24] =	ssyncadd.s32 $0xFFFFC000  }
0x6d: {  	[hbm4b:s7+s3] =	stream.linear.scatter [tilespmem:s19], [sflag:$0x7], $0x4000, $0x38;
	[tilespmem:$0x14000] =	vst v63  }
0x6e: {  	_ =	swait.ge [sflag:s25], $0x4000  }
0x6f: {  	[sflag:s25] =	ssyncset.done $0x0  }
0x70: {  	[sflag:s25] =	ssyncadd.s32 $0xFFFFC000  }
0x71: {  	[hbm4b:s8+s3] =	stream.linear.scatter [tilespmem:s21], [sflag:$0x8], $0x4000, $0x38;
	[tilespmem:$0x14000] =	vst v63  }
0x72: {  	_ =	swait.ge [sflag:s26], $0x4000  }
0x73: {  	[sflag:s26] =	ssyncset.done $0x0  }
0x74: {  	[sflag:s26] =	ssyncadd.s32 $0xFFFFC000  }
0x75: {  	_ =	swait.ge [sflag:s28], $0x4000  }
0x76: {  	[sflag:s28] =	ssyncset.done $0x0  }
0x77: {  	s31 =	sadd.s32 $0x1, s31;
	[sflag:s28] =	ssyncadd.s32 $0xFFFFC000  }
0x78: {  	p0 =	sne.s32 s31, s9;
	_ =	swait.ge [sflag:s29], $0x4000  }
.Ltmp1:
0x79: {  	[sflag:s29] =	ssyncset.done $0x0;
	(pc) =	sbr.rel @p0 .LBB2_1-.Ltmp1, $4  }
0x7a: {  	[sflag:s29] =	ssyncadd.s32 $0xFFFFC000  }
0x7b: {  	_ =	swait.ge [sflag:s30], $0x4000  }
0x7c: {  	[sflag:s30] =	ssyncset.done $0x0  }
0x7d: {  	[sflag:s30] =	ssyncadd.s32 $0xFFFFC000  }
0x7e: {  	_ =	sfence.sel $0x180000  }
0x7f: {  	[bflag:$0x0] =	sbarrier.arrive $0xFFFF  }
0x80: {  	_ =	strace $0x90000047  }
0x81: {  	s0 =	stileid.u32;
	[bflag:$0x2] =	sbarrier.arrive $0xFFFF  }
0x82: {  	p0 =	sne.s32 s0, $0x0;
	s0 =	rddreg [dreg:$0x3]  }
0x83: {  	s0 =	sadd.s32 @!p0 $0x100000, s0  }
0x84: {  	[sflag:s0] =	ssyncadd.tile.s32 @!p0 $0x1;
	_ =	shalt  }
.Lfunc_end2:
_tile_overlayer_lowered:
.L_overlay_start_2:
0x85: {  	(tag) =	ssettag $0x2  }
0x86: {  	s0 =	rddreg [dreg:$0x0];
	s2 =	stileid.u32  }
0x87: {  	s1 =	rddreg [dreg:$0x1];
	p0 =	sne.s32 s2, $0x0  }
0x88: {  	s3 =	rddreg [dreg:$0x2];
	[bflag:$0x3] =	sbarrier.arrive $0xFFFF;
	s2 =	simm.s32 @!p0 $0x1C09  }
0x89: {  	[timem:s3], [sflag:s2] =	dma.local @!p0 [hbm:s0], s1  }
0x8a: {  	s0 =	simm.s32 @!p0 $0x9  }
0x8b: {  	_ =	swait.ge @!p0 [sflag:s0], s1  }
0x8c: {  	s1 =	ssub.s32 @!p0 $0x0, s1;
	[sflag:s0] =	ssyncset.done @!p0 $0x0  }
0x8d: {  	[sflag:s0] =	ssyncadd.s32 @!p0 s1  }
0x8e: {  	[bflag:$0x3] =	sbarrier.arrive $0xFFFF  }
0x8f: {  	_ =	shalt  }

</sc_bundles>
